<compile_context>
chip_gen: v7x
topology: tpu7x:2x2x1
jax: 0.10.2.dev20260603
libtpu: 0.0.44.dev20260713+nightly
codegen_flags: <defaults>
</compile_context>

<pallas_src>
import jax
import jax.numpy as jnp
from jax import lax
from jax.experimental import pallas as pl
from jax.experimental.pallas import tpu as pltpu

_NP = 5120
_W = 256
_NBW = _NP // _W
_IOU_TH = 0.7
_SCORE_TH = 0.05


def _prep_body(coords_ref, o_ref, scores_ref,
               xyxy_ref, msc_ref, score_ref, label_ref, mask_ref, nv_ref):
    o = o_ref[...]
    cls = scores_ref[:, 0, :]
    lab = jnp.zeros(cls.shape, jnp.int32)
    for c in range(1, 20):
        v = scores_ref[:, c, :]
        better = v > cls
        cls = jnp.where(better, v, cls)
        lab = jnp.where(better, c, lab)
    score = cls * o
    mask = (o >= 0.5) & (score >= _SCORE_TH)
    x = coords_ref[:, 0, :]
    y = coords_ref[:, 1, :]
    w = coords_ref[:, 2, :]
    h = coords_ref[:, 3, :]
    xyxy_ref[:, 0, :] = jnp.clip(x - w / 2.0, 0.0, 1.0)
    xyxy_ref[:, 1, :] = jnp.clip(y - h / 2.0, 0.0, 1.0)
    xyxy_ref[:, 2, :] = jnp.clip(x + w / 2.0, 0.0, 1.0)
    xyxy_ref[:, 3, :] = jnp.clip(y + h / 2.0, 0.0, 1.0)
    score_ref[...] = score
    label_ref[...] = lab
    mask_ref[...] = mask.astype(jnp.int32)
    msc_ref[...] = jnp.where(mask, score, -jnp.inf)
    nv_ref[...] = jnp.sum(mask.astype(jnp.int32), axis=1, keepdims=True)


def _nms_body(nv_ref, rows_ref, keep_ref, cols_s):
    keep_ref[0] = jnp.ones((_NBW, _W), jnp.float32)
    eye = (lax.broadcasted_iota(jnp.int32, (_W, _W), 0) ==
           lax.broadcasted_iota(jnp.int32, (_W, _W), 1)).astype(jnp.float32)
    rowlt = (lax.broadcasted_iota(jnp.int32, (_W, _W), 0) <
             lax.broadcasted_iota(jnp.int32, (_W, _W), 1))

    nv = nv_ref[pl.program_id(0)]
    nbv = (nv + _W - 1) // _W

    def get_row(c, j):
        return rows_ref[0, c, pl.ds(j * _W, _W)].reshape(1, _W)

    def to_col(v):
        return lax.dot_general(eye, v, (((1,), (1,)), ((), ())),
                               preferred_element_type=jnp.float32)

    def build_cols(j, _):
        x1c = to_col(get_row(0, j))
        y1c = to_col(get_row(1, j))
        x2c = to_col(get_row(2, j))
        y2c = to_col(get_row(3, j))
        base = j * _W
        cols_s[pl.ds(base, _W), 0:1] = x1c
        cols_s[pl.ds(base, _W), 1:2] = y1c
        cols_s[pl.ds(base, _W), 2:3] = x2c
        cols_s[pl.ds(base, _W), 3:4] = y2c
        cols_s[pl.ds(base, _W), 4:5] = (x2c - x1c) * (y2c - y1c)
        return 0

    lax.fori_loop(0, nbv, build_cols, 0)

    def over_j(j, _):
        xj1 = get_row(0, j)
        yj1 = get_row(1, j)
        xj2 = get_row(2, j)
        yj2 = get_row(3, j)
        area_j = (xj2 - xj1) * (yj2 - yj1)

        def s_tile(a):
            base = a * _W
            xa1 = cols_s[pl.ds(base, _W), 0:1]
            ya1 = cols_s[pl.ds(base, _W), 1:2]
            xa2 = cols_s[pl.ds(base, _W), 2:3]
            ya2 = cols_s[pl.ds(base, _W), 3:4]
            area_a = cols_s[pl.ds(base, _W), 4:5]
            iw = jnp.maximum(
                jnp.minimum(xa2, xj2) - jnp.maximum(xa1, xj1), 0.0)
            ih = jnp.maximum(
                jnp.minimum(ya2, yj2) - jnp.maximum(ya1, yj1), 0.0)
            inter = iw * ih
            iou = inter / (area_a + area_j - inter + 1e-12)
            return jnp.where(iou > _IOU_TH, 1.0, 0.0).astype(jnp.bfloat16)

        def over_a(a, cnt):
            s = s_tile(a)
            ka = keep_ref[0, pl.ds(a, 1), :].astype(jnp.bfloat16)
            return cnt + lax.dot_general(
                ka, s, (((1,), (0,)), ((), ())),
                preferred_element_type=jnp.float32)

        cnt = lax.fori_loop(0, j, over_a, jnp.zeros((1, _W), jnp.float32))
        kv0 = jnp.where(cnt > 0.0, 0.0, 1.0)

        sm = jnp.where(rowlt, s_tile(j), jnp.bfloat16(0.0))

        def fstep(kv):
            cnt_d = lax.dot_general(
                kv.astype(jnp.bfloat16), sm, (((1,), (0,)), ((), ())),
                preferred_element_type=jnp.float32)
            return jnp.where(cnt_d > 0.0, 0.0, kv0)

        kv1 = fstep(kv0)

        def fcond(st):
            kv, kprev = st
            return jnp.any(kv != kprev)

        def fbody(st):
            kv, _ = st
            return (fstep(kv), kv)

        kv, _ = lax.while_loop(fcond, fbody, (kv1, kv0))
        keep_ref[0, pl.ds(j, 1), :] = kv
        return 0

    lax.fori_loop(0, nbv, over_j, 0)


@jax.jit
def kernel(b_coords, b_o, b_scores):
    B, N, C = b_scores.shape
    pad = _NP - N
    coords_t = jnp.pad(jnp.transpose(b_coords, (0, 2, 1)),
                       ((0, 0), (0, 0), (0, pad)))
    o_p = jnp.pad(b_o, ((0, 0), (0, pad)))
    scores_t = jnp.pad(jnp.transpose(b_scores, (0, 2, 1)),
                       ((0, 0), (0, 0), (0, pad)))

    xyxy_t, msc, score, lab, mask, nv = pl.pallas_call(
        _prep_body,
        out_shape=[
            jax.ShapeDtypeStruct((B, 4, _NP), jnp.float32),
            jax.ShapeDtypeStruct((B, _NP), jnp.float32),
            jax.ShapeDtypeStruct((B, _NP), jnp.float32),
            jax.ShapeDtypeStruct((B, _NP), jnp.int32),
            jax.ShapeDtypeStruct((B, _NP), jnp.int32),
            jax.ShapeDtypeStruct((B, 1), jnp.int32),
        ],
    )(coords_t, o_p, scores_t)

    order = jnp.argsort(-msc, axis=-1)
    bs = jnp.take_along_axis(xyxy_t, order[:, None, :], axis=2)

    keep_s = pl.pallas_call(
        _nms_body,
        grid_spec=pltpu.PrefetchScalarGridSpec(
            num_scalar_prefetch=1,
            grid=(B,),
            in_specs=[
                pl.BlockSpec((1, 4, _NP), lambda b, nv_s: (b, 0, 0)),
            ],
            out_specs=pl.BlockSpec((1, _NBW, _W), lambda b, nv_s: (b, 0, 0)),
            scratch_shapes=[pltpu.VMEM((_NP, 128), jnp.float32)],
        ),
        out_shape=jax.ShapeDtypeStruct((B, _NBW, _W), jnp.float32),
    )(nv.reshape(B), bs)

    keep_sorted = keep_s.reshape(B, _NP) > 0.5
    inv_order = jnp.argsort(order, axis=-1)
    keep = jnp.take_along_axis(keep_sorted, inv_order, axis=1)
    final = (mask > 0) & keep
    final = final[:, :N]
    xyxy = jnp.transpose(xyxy_t, (0, 2, 1))[:, :N, :]
    boxes_out = xyxy * final[..., None].astype(xyxy.dtype)
    scores_out = jnp.where(final, score[:, :N], 0.0)
    labels_out = jnp.where(final, lab[:, :N], -1)
    return boxes_out, scores_out, labels_out, final

# --- scband reference (transcript-rebuilt; emitter-appended) ---
"""Pipeline reference for scband-yolov1-72722386256562 (READ-ONLY COPY).

The authoritative reference and input builder live on the scoring server;
editing this copy changes nothing except your own understanding.
"""

import jax, jax.numpy as jnp
import numpy as np

RPN_NMS_THRESH = 0.7
BOX_SCORE_THRESH = 0.05


def setup_inputs(seed: int = 0) -> dict:
    key = jax.random.key(seed)
    k1, k2, k3 = jax.random.split(key, 3)
    b_coords = jax.random.uniform(k1, (8, 5000, 4), dtype=jnp.float32)
    b_o = jax.random.uniform(k2, (8, 5000), dtype=jnp.float32)
    b_scores = jax.random.uniform(k3, (8, 5000, 20), dtype=jnp.float32)
    return {"b_coords": b_coords, "b_o": b_o, "b_scores": b_scores}


def _nms_keep(boxes, scores, iou_threshold):
    # boxes: [N,4] xyxy, scores: [N] (-inf for invalid). Returns bool keep mask [N].
    n = boxes.shape[0]
    order = jnp.argsort(-scores)
    b = boxes[order]
    area = (b[:, 2] - b[:, 0]) * (b[:, 3] - b[:, 1])
    lt = jnp.maximum(b[:, None, :2], b[None, :, :2])
    rb = jnp.minimum(b[:, None, 2:], b[None, :, 2:])
    wh = jnp.clip(rb - lt, 0.0, None)
    inter = wh[..., 0] * wh[..., 1]
    iou = inter / (area[:, None] + area[None, :] - inter + 1e-12)
    idxs = jnp.arange(n)

    def body(i, keep):
        sup = keep[i] & (iou[i] > iou_threshold) & (idxs > i)
        return keep & (~sup)

    keep_sorted = jax.lax.fori_loop(0, n, body, jnp.ones((n,), dtype=bool))
    keep = jnp.zeros((n,), dtype=bool).at[order].set(keep_sorted)
    return keep


def reference(b_coords, b_o, b_scores):
    # Faithful fixed-shape translation of _YOLO.post_process: objectness gate,
    # class-score max, score thresholding, xywh->xyxy, clamp, per-image NMS.
    B, N, C = b_scores.shape
    cls_scores = jnp.max(b_scores, axis=-1)
    labels = jnp.argmax(b_scores, axis=-1)
    obj_mask = b_o >= 0.5
    scores = cls_scores * b_o
    score_mask = obj_mask & (scores >= BOX_SCORE_THRESH)
    wh = b_coords[..., 2:]
    xy = b_coords[..., :2]
    xyxy = jnp.concatenate([xy - wh / 2.0, xy + wh / 2.0], axis=-1)
    xyxy = jnp.clip(xyxy, 0.0, 1.0)
    masked_scores = jnp.where(score_mask, scores, -jnp.inf)
    keeps = []
    for i in range(B):
        keeps.append(_nms_keep(jax.lax.stop_gradient(xyxy[i]),
                               jax.lax.stop_gradient(masked_scores[i]),
                               RPN_NMS_THRESH))
    keep = jnp.stack(keeps, axis=0)
    final = score_mask & keep
    boxes_out = xyxy * final[..., None].astype(xyxy.dtype)
    scores_out = jnp.where(final, scores, 0.0)
    labels_out = jnp.where(final, labels, -1)
    return boxes_out, scores_out, labels_out, final

if __name__ == "__main__":
    import jax
    _d = setup_inputs()
    print(jax.jit(kernel)(*tuple(_d.values())))

</pallas_src>

<mosaic_0001>
module attributes {stable_mosaic.version = 14 : i64} {
  func.func @_prep_body(%arg0: memref<8x4x5120xf32, #tpu.memory_space<vmem>>, %arg1: memref<8x5120xf32, #tpu.memory_space<vmem>>, %arg2: memref<8x20x5120xf32, #tpu.memory_space<vmem>>, %arg3: memref<8x4x5120xf32, #tpu.memory_space<vmem>>, %arg4: memref<8x5120xf32, #tpu.memory_space<vmem>>, %arg5: memref<8x5120xf32, #tpu.memory_space<vmem>>, %arg6: memref<8x5120xi32, #tpu.memory_space<vmem>>, %arg7: memref<8x5120xi32, #tpu.memory_space<vmem>>, %arg8: memref<8x1xi32, #tpu.memory_space<vmem>>) attributes {dimension_semantics = [], scalar_prefetch = 0 : i64, scratch_operands = 0 : i64, tpu.core_type = #tpu.core_type<tc>} {
    %get3A = arith.constant 0 : index
    %get3A_0 = arith.constant 0 : index
    %get3A_1 = vector.load %arg1[%get3A, %get3A_0] : memref<8x5120xf32, #tpu.memory_space<vmem>>, vector<8x5120xf32>
    %get3A_2 = arith.constant 0 : index
    %get3A_3 = arith.constant 0 : index
    %get3A_4 = arith.constant 0 : index
    %get3A_5 = vector.load %arg2[%get3A_2, %get3A_3, %get3A_4] : memref<8x20x5120xf32, #tpu.memory_space<vmem>>, vector<8x1x5120xf32>
    %get3A_6 = vector.shape_cast %get3A_5 : vector<8x1x5120xf32> to vector<8x5120xf32>
    %broadcast_in_dim3A = arith.constant 0 : i32
    %broadcast_in_dim3A_7 = vector.broadcast %broadcast_in_dim3A : i32 to vector<8x5120xi32>
    %get3A_8 = arith.constant 0 : index
    %get3A_9 = arith.constant 1 : index
    %get3A_10 = arith.constant 0 : index
    %get3A_11 = vector.load %arg2[%get3A_8, %get3A_9, %get3A_10] : memref<8x20x5120xf32, #tpu.memory_space<vmem>>, vector<8x1x5120xf32>
    %get3A_12 = vector.shape_cast %get3A_11 : vector<8x1x5120xf32> to vector<8x5120xf32>
    %gt3A = arith.cmpf ogt, %get3A_12, %get3A_6 : vector<8x5120xf32>
    %select_n3A = arith.select %gt3A, %get3A_12, %get3A_6 : vector<8x5120xi1>, vector<8x5120xf32>
    %jit3A = arith.constant 1 : i32
    %broadcast_in_dim3A_13 = vector.broadcast %jit3A : i32 to vector<8x5120xi32>
    %select_n3A_14 = arith.select %gt3A, %broadcast_in_dim3A_13, %broadcast_in_dim3A_7 : vector<8x5120xi1>, vector<8x5120xi32>
    %get3A_15 = arith.constant 0 : index
    %get3A_16 = arith.constant 2 : index
    %get3A_17 = arith.constant 0 : index
    %get3A_18 = vector.load %arg2[%get3A_15, %get3A_16, %get3A_17] : memref<8x20x5120xf32, #tpu.memory_space<vmem>>, vector<8x1x5120xf32>
    %get3A_19 = vector.shape_cast %get3A_18 : vector<8x1x5120xf32> to vector<8x5120xf32>
    %gt3A_20 = arith.cmpf ogt, %get3A_19, %select_n3A : vector<8x5120xf32>
    %select_n3A_21 = arith.select %gt3A_20, %get3A_19, %select_n3A : vector<8x5120xi1>, vector<8x5120xf32>
    %jit3A_22 = arith.constant 2 : i32
    %broadcast_in_dim3A_23 = vector.broadcast %jit3A_22 : i32 to vector<8x5120xi32>
    %select_n3A_24 = arith.select %gt3A_20, %broadcast_in_dim3A_23, %select_n3A_14 : vector<8x5120xi1>, vector<8x5120xi32>
    %get3A_25 = arith.constant 0 : index
    %get3A_26 = arith.constant 3 : index
    %get3A_27 = arith.constant 0 : index
    %get3A_28 = vector.load %arg2[%get3A_25, %get3A_26, %get3A_27] : memref<8x20x5120xf32, #tpu.memory_space<vmem>>, vector<8x1x5120xf32>
    %get3A_29 = vector.shape_cast %get3A_28 : vector<8x1x5120xf32> to vector<8x5120xf32>
    %gt3A_30 = arith.cmpf ogt, %get3A_29, %select_n3A_21 : vector<8x5120xf32>
    %select_n3A_31 = arith.select %gt3A_30, %get3A_29, %select_n3A_21 : vector<8x5120xi1>, vector<8x5120xf32>
    %jit3A_32 = arith.constant 3 : i32
    %broadcast_in_dim3A_33 = vector.broadcast %jit3A_32 : i32 to vector<8x5120xi32>
    %select_n3A_34 = arith.select %gt3A_30, %broadcast_in_dim3A_33, %select_n3A_24 : vector<8x5120xi1>, vector<8x5120xi32>
    %get3A_35 = arith.constant 0 : index
    %get3A_36 = arith.constant 4 : index
    %get3A_37 = arith.constant 0 : index
    %get3A_38 = vector.load %arg2[%get3A_35, %get3A_36, %get3A_37] : memref<8x20x5120xf32, #tpu.memory_space<vmem>>, vector<8x1x5120xf32>
    %get3A_39 = vector.shape_cast %get3A_38 : vector<8x1x5120xf32> to vector<8x5120xf32>
    %gt3A_40 = arith.cmpf ogt, %get3A_39, %select_n3A_31 : vector<8x5120xf32>
    %select_n3A_41 = arith.select %gt3A_40, %get3A_39, %select_n3A_31 : vector<8x5120xi1>, vector<8x5120xf32>
    %jit3A_42 = arith.constant 4 : i32
    %broadcast_in_dim3A_43 = vector.broadcast %jit3A_42 : i32 to vector<8x5120xi32>
    %select_n3A_44 = arith.select %gt3A_40, %broadcast_in_dim3A_43, %select_n3A_34 : vector<8x5120xi1>, vector<8x5120xi32>
    %get3A_45 = arith.constant 0 : index
    %get3A_46 = arith.constant 5 : index
    %get3A_47 = arith.constant 0 : index
    %get3A_48 = vector.load %arg2[%get3A_45, %get3A_46, %get3A_47] : memref<8x20x5120xf32, #tpu.memory_space<vmem>>, vector<8x1x5120xf32>
    %get3A_49 = vector.shape_cast %get3A_48 : vector<8x1x5120xf32> to vector<8x5120xf32>
    %gt3A_50 = arith.cmpf ogt, %get3A_49, %select_n3A_41 : vector<8x5120xf32>
    %select_n3A_51 = arith.select %gt3A_50, %get3A_49, %select_n3A_41 : vector<8x5120xi1>, vector<8x5120xf32>
    %jit3A_52 = arith.constant 5 : i32
    %broadcast_in_dim3A_53 = vector.broadcast %jit3A_52 : i32 to vector<8x5120xi32>
    %select_n3A_54 = arith.select %gt3A_50, %broadcast_in_dim3A_53, %select_n3A_44 : vector<8x5120xi1>, vector<8x5120xi32>
    %get3A_55 = arith.constant 0 : index
    %get3A_56 = arith.constant 6 : index
    %get3A_57 = arith.constant 0 : index
    %get3A_58 = vector.load %arg2[%get3A_55, %get3A_56, %get3A_57] : memref<8x20x5120xf32, #tpu.memory_space<vmem>>, vector<8x1x5120xf32>
    %get3A_59 = vector.shape_cast %get3A_58 : vector<8x1x5120xf32> to vector<8x5120xf32>
    %gt3A_60 = arith.cmpf ogt, %get3A_59, %select_n3A_51 : vector<8x5120xf32>
    %select_n3A_61 = arith.select %gt3A_60, %get3A_59, %select_n3A_51 : vector<8x5120xi1>, vector<8x5120xf32>
    %jit3A_62 = arith.constant 6 : i32
    %broadcast_in_dim3A_63 = vector.broadcast %jit3A_62 : i32 to vector<8x5120xi32>
    %select_n3A_64 = arith.select %gt3A_60, %broadcast_in_dim3A_63, %select_n3A_54 : vector<8x5120xi1>, vector<8x5120xi32>
    %get3A_65 = arith.constant 0 : index
    %get3A_66 = arith.constant 7 : index
    %get3A_67 = arith.constant 0 : index
    %get3A_68 = vector.load %arg2[%get3A_65, %get3A_66, %get3A_67] : memref<8x20x5120xf32, #tpu.memory_space<vmem>>, vector<8x1x5120xf32>
    %get3A_69 = vector.shape_cast %get3A_68 : vector<8x1x5120xf32> to vector<8x5120xf32>
    %gt3A_70 = arith.cmpf ogt, %get3A_69, %select_n3A_61 : vector<8x5120xf32>
    %select_n3A_71 = arith.select %gt3A_70, %get3A_69, %select_n3A_61 : vector<8x5120xi1>, vector<8x5120xf32>
    %jit3A_72 = arith.constant 7 : i32
    %broadcast_in_dim3A_73 = vector.broadcast %jit3A_72 : i32 to vector<8x5120xi32>
    %select_n3A_74 = arith.select %gt3A_70, %broadcast_in_dim3A_73, %select_n3A_64 : vector<8x5120xi1>, vector<8x5120xi32>
    %get3A_75 = arith.constant 0 : index
    %get3A_76 = arith.constant 8 : index
    %get3A_77 = arith.constant 0 : index
    %get3A_78 = vector.load %arg2[%get3A_75, %get3A_76, %get3A_77] : memref<8x20x5120xf32, #tpu.memory_space<vmem>>, vector<8x1x5120xf32>
    %get3A_79 = vector.shape_cast %get3A_78 : vector<8x1x5120xf32> to vector<8x5120xf32>
    %gt3A_80 = arith.cmpf ogt, %get3A_79, %select_n3A_71 : vector<8x5120xf32>
    %select_n3A_81 = arith.select %gt3A_80, %get3A_79, %select_n3A_71 : vector<8x5120xi1>, vector<8x5120xf32>
    %jit3A_82 = arith.constant 8 : i32
    %broadcast_in_dim3A_83 = vector.broadcast %jit3A_82 : i32 to vector<8x5120xi32>
    %select_n3A_84 = arith.select %gt3A_80, %broadcast_in_dim3A_83, %select_n3A_74 : vector<8x5120xi1>, vector<8x5120xi32>
    %get3A_85 = arith.constant 0 : index
    %get3A_86 = arith.constant 9 : index
    %get3A_87 = arith.constant 0 : index
    %get3A_88 = vector.load %arg2[%get3A_85, %get3A_86, %get3A_87] : memref<8x20x5120xf32, #tpu.memory_space<vmem>>, vector<8x1x5120xf32>
    %get3A_89 = vector.shape_cast %get3A_88 : vector<8x1x5120xf32> to vector<8x5120xf32>
    %gt3A_90 = arith.cmpf ogt, %get3A_89, %select_n3A_81 : vector<8x5120xf32>
    %select_n3A_91 = arith.select %gt3A_90, %get3A_89, %select_n3A_81 : vector<8x5120xi1>, vector<8x5120xf32>
    %jit3A_92 = arith.constant 9 : i32
    %broadcast_in_dim3A_93 = vector.broadcast %jit3A_92 : i32 to vector<8x5120xi32>
    %select_n3A_94 = arith.select %gt3A_90, %broadcast_in_dim3A_93, %select_n3A_84 : vector<8x5120xi1>, vector<8x5120xi32>
    %get3A_95 = arith.constant 0 : index
    %get3A_96 = arith.constant 10 : index
    %get3A_97 = arith.constant 0 : index
    %get3A_98 = vector.load %arg2[%get3A_95, %get3A_96, %get3A_97] : memref<8x20x5120xf32, #tpu.memory_space<vmem>>, vector<8x1x5120xf32>
    %get3A_99 = vector.shape_cast %get3A_98 : vector<8x1x5120xf32> to vector<8x5120xf32>
    %gt3A_100 = arith.cmpf ogt, %get3A_99, %select_n3A_91 : vector<8x5120xf32>
    %select_n3A_101 = arith.select %gt3A_100, %get3A_99, %select_n3A_91 : vector<8x5120xi1>, vector<8x5120xf32>
    %jit3A_102 = arith.constant 10 : i32
    %broadcast_in_dim3A_103 = vector.broadcast %jit3A_102 : i32 to vector<8x5120xi32>
    %select_n3A_104 = arith.select %gt3A_100, %broadcast_in_dim3A_103, %select_n3A_94 : vector<8x5120xi1>, vector<8x5120xi32>
    %get3A_105 = arith.constant 0 : index
    %get3A_106 = arith.constant 11 : index
    %get3A_107 = arith.constant 0 : index
    %get3A_108 = vector.load %arg2[%get3A_105, %get3A_106, %get3A_107] : memref<8x20x5120xf32, #tpu.memory_space<vmem>>, vector<8x1x5120xf32>
    %get3A_109 = vector.shape_cast %get3A_108 : vector<8x1x5120xf32> to vector<8x5120xf32>
    %gt3A_110 = arith.cmpf ogt, %get3A_109, %select_n3A_101 : vector<8x5120xf32>
    %select_n3A_111 = arith.select %gt3A_110, %get3A_109, %select_n3A_101 : vector<8x5120xi1>, vector<8x5120xf32>
    %jit3A_112 = arith.constant 11 : i32
    %broadcast_in_dim3A_113 = vector.broadcast %jit3A_112 : i32 to vector<8x5120xi32>
    %select_n3A_114 = arith.select %gt3A_110, %broadcast_in_dim3A_113, %select_n3A_104 : vector<8x5120xi1>, vector<8x5120xi32>
    %get3A_115 = arith.constant 0 : index
    %get3A_116 = arith.constant 12 : index
    %get3A_117 = arith.constant 0 : index
    %get3A_118 = vector.load %arg2[%get3A_115, %get3A_116, %get3A_117] : memref<8x20x5120xf32, #tpu.memory_space<vmem>>, vector<8x1x5120xf32>
    %get3A_119 = vector.shape_cast %get3A_118 : vector<8x1x5120xf32> to vector<8x5120xf32>
    %gt3A_120 = arith.cmpf ogt, %get3A_119, %select_n3A_111 : vector<8x5120xf32>
    %select_n3A_121 = arith.select %gt3A_120, %get3A_119, %select_n3A_111 : vector<8x5120xi1>, vector<8x5120xf32>
    %jit3A_122 = arith.constant 12 : i32
    %broadcast_in_dim3A_123 = vector.broadcast %jit3A_122 : i32 to vector<8x5120xi32>
    %select_n3A_124 = arith.select %gt3A_120, %broadcast_in_dim3A_123, %select_n3A_114 : vector<8x5120xi1>, vector<8x5120xi32>
    %get3A_125 = arith.constant 0 : index
    %get3A_126 = arith.constant 13 : index
    %get3A_127 = arith.constant 0 : index
    %get3A_128 = vector.load %arg2[%get3A_125, %get3A_126, %get3A_127] : memref<8x20x5120xf32, #tpu.memory_space<vmem>>, vector<8x1x5120xf32>
    %get3A_129 = vector.shape_cast %get3A_128 : vector<8x1x5120xf32> to vector<8x5120xf32>
    %gt3A_130 = arith.cmpf ogt, %get3A_129, %select_n3A_121 : vector<8x5120xf32>
    %select_n3A_131 = arith.select %gt3A_130, %get3A_129, %select_n3A_121 : vector<8x5120xi1>, vector<8x5120xf32>
    %jit3A_132 = arith.constant 13 : i32
    %broadcast_in_dim3A_133 = vector.broadcast %jit3A_132 : i32 to vector<8x5120xi32>
    %select_n3A_134 = arith.select %gt3A_130, %broadcast_in_dim3A_133, %select_n3A_124 : vector<8x5120xi1>, vector<8x5120xi32>
    %get3A_135 = arith.constant 0 : index
    %get3A_136 = arith.constant 14 : index
    %get3A_137 = arith.constant 0 : index
    %get3A_138 = vector.load %arg2[%get3A_135, %get3A_136, %get3A_137] : memref<8x20x5120xf32, #tpu.memory_space<vmem>>, vector<8x1x5120xf32>
    %get3A_139 = vector.shape_cast %get3A_138 : vector<8x1x5120xf32> to vector<8x5120xf32>
    %gt3A_140 = arith.cmpf ogt, %get3A_139, %select_n3A_131 : vector<8x5120xf32>
    %select_n3A_141 = arith.select %gt3A_140, %get3A_139, %select_n3A_131 : vector<8x5120xi1>, vector<8x5120xf32>
    %jit3A_142 = arith.constant 14 : i32
    %broadcast_in_dim3A_143 = vector.broadcast %jit3A_142 : i32 to vector<8x5120xi32>
    %select_n3A_144 = arith.select %gt3A_140, %broadcast_in_dim3A_143, %select_n3A_134 : vector<8x5120xi1>, vector<8x5120xi32>
    %get3A_145 = arith.constant 0 : index
    %get3A_146 = arith.constant 15 : index
    %get3A_147 = arith.constant 0 : index
    %get3A_148 = vector.load %arg2[%get3A_145, %get3A_146, %get3A_147] : memref<8x20x5120xf32, #tpu.memory_space<vmem>>, vector<8x1x5120xf32>
    %get3A_149 = vector.shape_cast %get3A_148 : vector<8x1x5120xf32> to vector<8x5120xf32>
    %gt3A_150 = arith.cmpf ogt, %get3A_149, %select_n3A_141 : vector<8x5120xf32>
    %select_n3A_151 = arith.select %gt3A_150, %get3A_149, %select_n3A_141 : vector<8x5120xi1>, vector<8x5120xf32>
    %jit3A_152 = arith.constant 15 : i32
    %broadcast_in_dim3A_153 = vector.broadcast %jit3A_152 : i32 to vector<8x5120xi32>
    %select_n3A_154 = arith.select %gt3A_150, %broadcast_in_dim3A_153, %select_n3A_144 : vector<8x5120xi1>, vector<8x5120xi32>
    %get3A_155 = arith.constant 0 : index
    %get3A_156 = arith.constant 16 : index
    %get3A_157 = arith.constant 0 : index
    %get3A_158 = vector.load %arg2[%get3A_155, %get3A_156, %get3A_157] : memref<8x20x5120xf32, #tpu.memory_space<vmem>>, vector<8x1x5120xf32>
    %get3A_159 = vector.shape_cast %get3A_158 : vector<8x1x5120xf32> to vector<8x5120xf32>
    %gt3A_160 = arith.cmpf ogt, %get3A_159, %select_n3A_151 : vector<8x5120xf32>
    %select_n3A_161 = arith.select %gt3A_160, %get3A_159, %select_n3A_151 : vector<8x5120xi1>, vector<8x5120xf32>
    %jit3A_162 = arith.constant 16 : i32
    %broadcast_in_dim3A_163 = vector.broadcast %jit3A_162 : i32 to vector<8x5120xi32>
    %select_n3A_164 = arith.select %gt3A_160, %broadcast_in_dim3A_163, %select_n3A_154 : vector<8x5120xi1>, vector<8x5120xi32>
    %get3A_165 = arith.constant 0 : index
    %get3A_166 = arith.constant 17 : index
    %get3A_167 = arith.constant 0 : index
    %get3A_168 = vector.load %arg2[%get3A_165, %get3A_166, %get3A_167] : memref<8x20x5120xf32, #tpu.memory_space<vmem>>, vector<8x1x5120xf32>
    %get3A_169 = vector.shape_cast %get3A_168 : vector<8x1x5120xf32> to vector<8x5120xf32>
    %gt3A_170 = arith.cmpf ogt, %get3A_169, %select_n3A_161 : vector<8x5120xf32>
    %select_n3A_171 = arith.select %gt3A_170, %get3A_169, %select_n3A_161 : vector<8x5120xi1>, vector<8x5120xf32>
    %jit3A_172 = arith.constant 17 : i32
    %broadcast_in_dim3A_173 = vector.broadcast %jit3A_172 : i32 to vector<8x5120xi32>
    %select_n3A_174 = arith.select %gt3A_170, %broadcast_in_dim3A_173, %select_n3A_164 : vector<8x5120xi1>, vector<8x5120xi32>
    %get3A_175 = arith.constant 0 : index
    %get3A_176 = arith.constant 18 : index
    %get3A_177 = arith.constant 0 : index
    %get3A_178 = vector.load %arg2[%get3A_175, %get3A_176, %get3A_177] : memref<8x20x5120xf32, #tpu.memory_space<vmem>>, vector<8x1x5120xf32>
    %get3A_179 = vector.shape_cast %get3A_178 : vector<8x1x5120xf32> to vector<8x5120xf32>
    %gt3A_180 = arith.cmpf ogt, %get3A_179, %select_n3A_171 : vector<8x5120xf32>
    %select_n3A_181 = arith.select %gt3A_180, %get3A_179, %select_n3A_171 : vector<8x5120xi1>, vector<8x5120xf32>
    %jit3A_182 = arith.constant 18 : i32
    %broadcast_in_dim3A_183 = vector.broadcast %jit3A_182 : i32 to vector<8x5120xi32>
    %select_n3A_184 = arith.select %gt3A_180, %broadcast_in_dim3A_183, %select_n3A_174 : vector<8x5120xi1>, vector<8x5120xi32>
    %get3A_185 = arith.constant 0 : index
    %get3A_186 = arith.constant 19 : index
    %get3A_187 = arith.constant 0 : index
    %get3A_188 = vector.load %arg2[%get3A_185, %get3A_186, %get3A_187] : memref<8x20x5120xf32, #tpu.memory_space<vmem>>, vector<8x1x5120xf32>
    %get3A_189 = vector.shape_cast %get3A_188 : vector<8x1x5120xf32> to vector<8x5120xf32>
    %gt3A_190 = arith.cmpf ogt, %get3A_189, %select_n3A_181 : vector<8x5120xf32>
    %select_n3A_191 = arith.select %gt3A_190, %get3A_189, %select_n3A_181 : vector<8x5120xi1>, vector<8x5120xf32>
    %jit3A_192 = arith.constant 19 : i32
    %broadcast_in_dim3A_193 = vector.broadcast %jit3A_192 : i32 to vector<8x5120xi32>
    %select_n3A_194 = arith.select %gt3A_190, %broadcast_in_dim3A_193, %select_n3A_184 : vector<8x5120xi1>, vector<8x5120xi32>
    %mul3A = arith.mulf %select_n3A_191, %get3A_1 : vector<8x5120xf32>
    %ge3A = arith.constant 5.000000e-01 : f32
    %ge3A_195 = vector.broadcast %ge3A : f32 to vector<8x5120xf32>
    %ge3A_196 = arith.cmpf oge, %get3A_1, %ge3A_195 : vector<8x5120xf32>
    %ge3A_197 = arith.constant 5.000000e-02 : f32
    %ge3A_198 = vector.broadcast %ge3A_197 : f32 to vector<8x5120xf32>
    %ge3A_199 = arith.cmpf oge, %mul3A, %ge3A_198 : vector<8x5120xf32>
    %and3A = arith.andi %ge3A_196, %ge3A_199 : vector<8x5120xi1>
    %get3A_200 = arith.constant 0 : index
    %get3A_201 = arith.constant 0 : index
    %get3A_202 = arith.constant 0 : index
    %get3A_203 = vector.load %arg0[%get3A_200, %get3A_201, %get3A_202] : memref<8x4x5120xf32, #tpu.memory_space<vmem>>, vector<8x1x5120xf32>
    %get3A_204 = vector.shape_cast %get3A_203 : vector<8x1x5120xf32> to vector<8x5120xf32>
    %get3A_205 = arith.constant 0 : index
    %get3A_206 = arith.constant 1 : index
    %get3A_207 = arith.constant 0 : index
    %get3A_208 = vector.load %arg0[%get3A_205, %get3A_206, %get3A_207] : memref<8x4x5120xf32, #tpu.memory_space<vmem>>, vector<8x1x5120xf32>
    %get3A_209 = vector.shape_cast %get3A_208 : vector<8x1x5120xf32> to vector<8x5120xf32>
    %get3A_210 = arith.constant 0 : index
    %get3A_211 = arith.constant 2 : index
    %get3A_212 = arith.constant 0 : index
    %get3A_213 = vector.load %arg0[%get3A_210, %get3A_211, %get3A_212] : memref<8x4x5120xf32, #tpu.memory_space<vmem>>, vector<8x1x5120xf32>
    %get3A_214 = vector.shape_cast %get3A_213 : vector<8x1x5120xf32> to vector<8x5120xf32>
    %get3A_215 = arith.constant 0 : index
    %get3A_216 = arith.constant 3 : index
    %get3A_217 = arith.constant 0 : index
    %get3A_218 = vector.load %arg0[%get3A_215, %get3A_216, %get3A_217] : memref<8x4x5120xf32, #tpu.memory_space<vmem>>, vector<8x1x5120xf32>
    %get3A_219 = vector.shape_cast %get3A_218 : vector<8x1x5120xf32> to vector<8x5120xf32>
    %div3A = arith.constant 2.000000e+00 : f32
    %div3A_220 = vector.broadcast %div3A : f32 to vector<8x5120xf32>
    %div3A_221 = arith.divf %get3A_214, %div3A_220 : vector<8x5120xf32>
    %sub3A = arith.subf %get3A_204, %div3A_221 : vector<8x5120xf32>
    %jit3A_222 = arith.constant 0.000000e+00 : f32
    %jit3A_223 = arith.constant 1.000000e+00 : f32
    %max3A = vector.broadcast %jit3A_222 : f32 to vector<8x5120xf32>
    %max3A_224 = arith.maximumf %max3A, %sub3A : vector<8x5120xf32>
    %min3A = vector.broadcast %jit3A_223 : f32 to vector<8x5120xf32>
    %min3A_225 = arith.minimumf %min3A, %max3A_224 : vector<8x5120xf32>
    %swap3A = arith.constant 0 : index
    %swap3A_226 = arith.constant 0 : index
    %swap3A_227 = arith.constant 0 : index
    %swap3A_228 = vector.load %arg3[%swap3A, %swap3A_226, %swap3A_227] : memref<8x4x5120xf32, #tpu.memory_space<vmem>>, vector<8x1x5120xf32>
    %swap3A_229 = vector.shape_cast %swap3A_228 : vector<8x1x5120xf32> to vector<8x5120xf32>
    %swap3A_230 = vector.shape_cast %min3A_225 : vector<8x5120xf32> to vector<8x1x5120xf32>
    tpu.vector_store %arg3[%swap3A, %swap3A_226, %swap3A_227], %swap3A_230 {strides = array<i32>} : memref<8x4x5120xf32, #tpu.memory_space<vmem>>, vector<8x1x5120xf32>,
    %div3A_231 = arith.constant 2.000000e+00 : f32
    %div3A_232 = vector.broadcast %div3A_231 : f32 to vector<8x5120xf32>
    %div3A_233 = arith.divf %get3A_219, %div3A_232 : vector<8x5120xf32>
    %sub3A_234 = arith.subf %get3A_209, %div3A_233 : vector<8x5120xf32>
    %jit3A_235 = arith.constant 0.000000e+00 : f32
    %jit3A_236 = arith.constant 1.000000e+00 : f32
    %max3A_237 = vector.broadcast %jit3A_235 : f32 to vector<8x5120xf32>
    %max3A_238 = arith.maximumf %max3A_237, %sub3A_234 : vector<8x5120xf32>
    %min3A_239 = vector.broadcast %jit3A_236 : f32 to vector<8x5120xf32>
    %min3A_240 = arith.minimumf %min3A_239, %max3A_238 : vector<8x5120xf32>
    %swap3A_241 = arith.constant 0 : index
    %swap3A_242 = arith.constant 1 : index
    %swap3A_243 = arith.constant 0 : index
    %swap3A_244 = vector.load %arg3[%swap3A_241, %swap3A_242, %swap3A_243] : memref<8x4x5120xf32, #tpu.memory_space<vmem>>, vector<8x1x5120xf32>
    %swap3A_245 = vector.shape_cast %swap3A_244 : vector<8x1x5120xf32> to vector<8x5120xf32>
    %swap3A_246 = vector.shape_cast %min3A_240 : vector<8x5120xf32> to vector<8x1x5120xf32>
    tpu.vector_store %arg3[%swap3A_241, %swap3A_242, %swap3A_243], %swap3A_246 {strides = array<i32>} : memref<8x4x5120xf32, #tpu.memory_space<vmem>>, vector<8x1x5120xf32>,
    %div3A_247 = arith.constant 2.000000e+00 : f32
    %div3A_248 = vector.broadcast %div3A_247 : f32 to vector<8x5120xf32>
    %div3A_249 = arith.divf %get3A_214, %div3A_248 : vector<8x5120xf32>
    %add3A = arith.addf %get3A_204, %div3A_249 : vector<8x5120xf32>
    %jit3A_250 = arith.constant 0.000000e+00 : f32
    %jit3A_251 = arith.constant 1.000000e+00 : f32
    %max3A_252 = vector.broadcast %jit3A_250 : f32 to vector<8x5120xf32>
    %max3A_253 = arith.maximumf %max3A_252, %add3A : vector<8x5120xf32>
    %min3A_254 = vector.broadcast %jit3A_251 : f32 to vector<8x5120xf32>
    %min3A_255 = arith.minimumf %min3A_254, %max3A_253 : vector<8x5120xf32>
    %swap3A_256 = arith.constant 0 : index
    %swap3A_257 = arith.constant 2 : index
    %swap3A_258 = arith.constant 0 : index
    %swap3A_259 = vector.load %arg3[%swap3A_256, %swap3A_257, %swap3A_258] : memref<8x4x5120xf32, #tpu.memory_space<vmem>>, vector<8x1x5120xf32>
    %swap3A_260 = vector.shape_cast %swap3A_259 : vector<8x1x5120xf32> to vector<8x5120xf32>
    %swap3A_261 = vector.shape_cast %min3A_255 : vector<8x5120xf32> to vector<8x1x5120xf32>
    tpu.vector_store %arg3[%swap3A_256, %swap3A_257, %swap3A_258], %swap3A_261 {strides = array<i32>} : memref<8x4x5120xf32, #tpu.memory_space<vmem>>, vector<8x1x5120xf32>,
    %div3A_262 = arith.constant 2.000000e+00 : f32
    %div3A_263 = vector.broadcast %div3A_262 : f32 to vector<8x5120xf32>
    %div3A_264 = arith.divf %get3A_219, %div3A_263 : vector<8x5120xf32>
    %add3A_265 = arith.addf %get3A_209, %div3A_264 : vector<8x5120xf32>
    %jit3A_266 = arith.constant 0.000000e+00 : f32
    %jit3A_267 = arith.constant 1.000000e+00 : f32
    %max3A_268 = vector.broadcast %jit3A_266 : f32 to vector<8x5120xf32>
    %max3A_269 = arith.maximumf %max3A_268, %add3A_265 : vector<8x5120xf32>
    %min3A_270 = vector.broadcast %jit3A_267 : f32 to vector<8x5120xf32>
    %min3A_271 = arith.minimumf %min3A_270, %max3A_269 : vector<8x5120xf32>
    %swap3A_272 = arith.constant 0 : index
    %swap3A_273 = arith.constant 3 : index
    %swap3A_274 = arith.constant 0 : index
    %swap3A_275 = vector.load %arg3[%swap3A_272, %swap3A_273, %swap3A_274] : memref<8x4x5120xf32, #tpu.memory_space<vmem>>, vector<8x1x5120xf32>
    %swap3A_276 = vector.shape_cast %swap3A_275 : vector<8x1x5120xf32> to vector<8x5120xf32>
    %swap3A_277 = vector.shape_cast %min3A_271 : vector<8x5120xf32> to vector<8x1x5120xf32>
    tpu.vector_store %arg3[%swap3A_272, %swap3A_273, %swap3A_274], %swap3A_277 {strides = array<i32>} : memref<8x4x5120xf32, #tpu.memory_space<vmem>>, vector<8x1x5120xf32>,
    %swap3A_278 = arith.constant 0 : index
    %swap3A_279 = arith.constant 0 : index
    %swap3A_280 = vector.load %arg5[%swap3A_278, %swap3A_279] : memref<8x5120xf32, #tpu.memory_space<vmem>>, vector<8x5120xf32>
    tpu.vector_store %arg5[%swap3A_278, %swap3A_279], %mul3A {strides = array<i32>} : memref<8x5120xf32, #tpu.memory_space<vmem>>, vector<8x5120xf32>,
    %swap3A_281 = arith.constant 0 : index
    %swap3A_282 = arith.constant 0 : index
    %swap3A_283 = vector.load %arg6[%swap3A_281, %swap3A_282] : memref<8x5120xi32, #tpu.memory_space<vmem>>, vector<8x5120xi32>
    tpu.vector_store %arg6[%swap3A_281, %swap3A_282], %select_n3A_194 {strides = array<i32>} : memref<8x5120xi32, #tpu.memory_space<vmem>>, vector<8x5120xi32>,
    %convert_element_type3A = arith.extui %and3A : vector<8x5120xi1> to vector<8x5120xi32>
    %swap3A_284 = arith.constant 0 : index
    %swap3A_285 = arith.constant 0 : index
    %swap3A_286 = vector.load %arg7[%swap3A_284, %swap3A_285] : memref<8x5120xi32, #tpu.memory_space<vmem>>, vector<8x5120xi32>
    tpu.vector_store %arg7[%swap3A_284, %swap3A_285], %convert_element_type3A {strides = array<i32>} : memref<8x5120xi32, #tpu.memory_space<vmem>>, vector<8x5120xi32>,
    %jit3A_287 = arith.constant 0xFF800000 : f32
    %broadcast_in_dim3A_288 = vector.broadcast %jit3A_287 : f32 to vector<8x5120xf32>
    %select_n3A_289 = arith.select %and3A, %mul3A, %broadcast_in_dim3A_288 : vector<8x5120xi1>, vector<8x5120xf32>
    %swap3A_290 = arith.constant 0 : index
    %swap3A_291 = arith.constant 0 : index
    %swap3A_292 = vector.load %arg4[%swap3A_290, %swap3A_291] : memref<8x5120xf32, #tpu.memory_space<vmem>>, vector<8x5120xf32>
    tpu.vector_store %arg4[%swap3A_290, %swap3A_291], %select_n3A_289 {strides = array<i32>} : memref<8x5120xf32, #tpu.memory_space<vmem>>, vector<8x5120xf32>,
    %convert_element_type3A_293 = arith.extui %and3A : vector<8x5120xi1> to vector<8x5120xi32>
    %reduce_sum3A = arith.constant dense<0> : vector<8xi32>
    %reduce_sum3A_294 = vector.multi_reduction <add>, %convert_element_type3A_293, %reduce_sum3A [1] : vector<8x5120xi32> to vector<8xi32>
    %broadcast_in_dim3A_295 = vector.shape_cast %reduce_sum3A_294 : vector<8xi32> to vector<8x1xi32>
    %swap3A_296 = arith.constant 0 : index
    %swap3A_297 = arith.constant 0 : index
    %swap3A_298 = vector.load %arg8[%swap3A_296, %swap3A_297] : memref<8x1xi32, #tpu.memory_space<vmem>>, vector<8x1xi32>
    tpu.vector_store %arg8[%swap3A_296, %swap3A_297], %broadcast_in_dim3A_295 {strides = array<i32>} : memref<8x1xi32, #tpu.memory_space<vmem>>, vector<8x1xi32>,
    return
  }
}

module attributes {stable_mosaic.version = 14 : i64} {
  func.func @_nms_body(%arg0: i32, %arg1: memref<8xi32, #tpu.memory_space<smem>>, %arg2: memref<1x4x5120xf32, #tpu.memory_space<vmem>>, %arg3: memref<1x20x256xf32, #tpu.memory_space<vmem>>, %arg4: memref<5120x128xf32, #tpu.memory_space<vmem>>) attributes {dimension_semantics = [#tpu.dimension_semantics<arbitrary>], iteration_bounds = array<i64: 8>, scalar_prefetch = 1 : i64, scratch_operands = 1 : i64, tpu.core_type = #tpu.core_type<tc>, window_params = [{transform_indices = @transform_0, window_bounds = array<i64: 1, 4, 5120>}, {transform_indices = @transform_1, window_bounds = array<i64: 1, 20, 256>}]} {
    %broadcast_in_dim3A = arith.constant 1.000000e+00 : f32
    %broadcast_in_dim3A_0 = vector.broadcast %broadcast_in_dim3A : f32 to vector<20x256xf32>
    %swap3A = arith.constant 0 : index
    %swap3A_1 = arith.constant 0 : index
    %swap3A_2 = arith.constant 0 : index
    %swap3A_3 = vector.load %arg3[%swap3A, %swap3A_1, %swap3A_2] : memref<1x20x256xf32, #tpu.memory_space<vmem>>, vector<1x20x256xf32>
    %swap3A_4 = vector.shape_cast %swap3A_3 : vector<1x20x256xf32> to vector<20x256xf32>
    %swap3A_5 = vector.shape_cast %broadcast_in_dim3A_0 : vector<20x256xf32> to vector<1x20x256xf32>
    tpu.vector_store %arg3[%swap3A, %swap3A_1, %swap3A_2], %swap3A_5 {strides = array<i32>} : memref<1x20x256xf32, #tpu.memory_space<vmem>>, vector<1x20x256xf32>,
    %iota3A = tpu.iota {dimensions = array<i32: 0>} : vector<256x256xi32>
    %iota3A_6 = tpu.iota {dimensions = array<i32: 1>} : vector<256x256xi32>
    %eq3A = arith.cmpi eq, %iota3A, %iota3A_6 : vector<256x256xi32>
    %convert_element_type3A = arith.extui %eq3A : vector<256x256xi1> to vector<256x256xi32>
    %convert_element_type3A_7 = arith.sitofp %convert_element_type3A : vector<256x256xi32> to vector<256x256xf32>
    %iota3A_8 = tpu.iota {dimensions = array<i32: 0>} : vector<256x256xi32>
    %iota3A_9 = tpu.iota {dimensions = array<i32: 1>} : vector<256x256xi32>
    %lt3A = arith.cmpi slt, %iota3A_8, %iota3A_9 : vector<256x256xi32>
    %get3A = arith.index_cast %arg0 : i32 to index
    %get3A_10 = memref.load %arg1[%get3A] : memref<8xi32, #tpu.memory_space<smem>>
    %add3A = arith.constant 256 : i32
    %add3A_11 = arith.addi %get3A_10, %add3A : i32
    %sub3A = arith.constant 1 : i32
    %sub3A_12 = arith.subi %add3A_11, %sub3A : i32
    %jit3A = arith.constant 256 : i32
    %div3A = arith.divsi %sub3A_12, %jit3A : i32
    %sign3A = arith.constant 0 : i32
    %sign3A_13 = arith.cmpi sgt, %sub3A_12, %sign3A : i32
    %sign3A_14 = arith.extui %sign3A_13 : i1 to i32
    %sign3A_15 = arith.constant 0 : i32
    %sign3A_16 = arith.cmpi slt, %sub3A_12, %sign3A_15 : i32
    %sign3A_17 = arith.extui %sign3A_16 : i1 to i32
    %sign3A_18 = arith.subi %sign3A_14, %sign3A_17 : i32
    %sign3A_19 = arith.constant 0 : i32
    %sign3A_20 = arith.cmpi sgt, %jit3A, %sign3A_19 : i32
    %sign3A_21 = arith.extui %sign3A_20 : i1 to i32
    %sign3A_22 = arith.constant 0 : i32
    %sign3A_23 = arith.cmpi slt, %jit3A, %sign3A_22 : i32
    %sign3A_24 = arith.extui %sign3A_23 : i1 to i32
    %sign3A_25 = arith.subi %sign3A_21, %sign3A_24 : i32
    %ne3A = arith.cmpi ne, %sign3A_18, %sign3A_25 : i32
    %rem3A = arith.remsi %sub3A_12, %jit3A : i32
    %ne3A_26 = arith.constant 0 : i32
    %ne3A_27 = arith.cmpi ne, %rem3A, %ne3A_26 : i32
    %and3A = arith.andi %ne3A, %ne3A_27 : i1
    %sub3A_28 = arith.constant 1 : i32
    %sub3A_29 = arith.subi %div3A, %sub3A_28 : i32
    %select_n3A = arith.select %and3A, %sub3A_29, %div3A : i32
    %while3A = arith.constant 0 : i32
    %while3A_30 = arith.constant 0 : i32
    %while3A_31 = arith.subi %select_n3A, %while3A : i32
    %while3A_32 = arith.addi %while3A, %while3A_31 : i32
    %while3A_33 = arith.constant 1 : i32
    %while3A_34 = arith.divsi %while3A_31, %while3A_33 : i32
    %while3A_35 = arith.muli %while3A_34, %while3A_33 : i32
    %while3A_36 = arith.addi %while3A, %while3A_35 : i32
    %while3A_37 = arith.constant 1 : i32
    %while3A_38 = scf.for %while3A_53 = %while3A to %while3A_36 step %while3A_37 iter_args(%while3A_54 = %while3A_30) -> (i32)  : i32 {
      %mul3A = arith.constant 256 : i32
      %mul3A_55 = arith.muli %while3A_53, %mul3A : i32
      %get3A_56 = arith.constant 0 : index
      %get3A_57 = arith.constant 0 : index
      %get3A_58 = arith.index_cast %mul3A_55 : i32 to index
      %get3A_59 = vector.load %arg2[%get3A_56, %get3A_57, %get3A_58] : memref<1x4x5120xf32, #tpu.memory_space<vmem>>, vector<1x1x256xf32>
      %get3A_60 = vector.shape_cast %get3A_59 : vector<1x1x256xf32> to vector<256xf32>
      %reshape3A = vector.shape_cast %get3A_60 : vector<256xf32> to vector<1x256xf32>
      %dot_general3A = arith.constant dense<0.000000e+00> : vector<256x1xf32>
      %dot_general3A_61 = tpu.matmul %convert_element_type3A_7, %reshape3A, %dot_general3A {dimension_numbers = #tpu.dot_dimension_numbers<[1], [1], [0], [0], [0, 0, 1, 0], [], []>, transpose_lhs_hint = false} : vector<256x256xf32>, vector<1x256xf32>, vector<256x1xf32> -> vector<256x1xf32>
      %mul3A_62 = arith.constant 256 : i32
      %mul3A_63 = arith.muli %while3A_53, %mul3A_62 : i32
      %get3A_64 = arith.constant 0 : index
      %get3A_65 = arith.constant 1 : index
      %get3A_66 = arith.index_cast %mul3A_63 : i32 to index
      %get3A_67 = vector.load %arg2[%get3A_64, %get3A_65, %get3A_66] : memref<1x4x5120xf32, #tpu.memory_space<vmem>>, vector<1x1x256xf32>
      %get3A_68 = vector.shape_cast %get3A_67 : vector<1x1x256xf32> to vector<256xf32>
      %reshape3A_69 = vector.shape_cast %get3A_68 : vector<256xf32> to vector<1x256xf32>
      %dot_general3A_70 = arith.constant dense<0.000000e+00> : vector<256x1xf32>
      %dot_general3A_71 = tpu.matmul %convert_element_type3A_7, %reshape3A_69, %dot_general3A_70 {dimension_numbers = #tpu.dot_dimension_numbers<[1], [1], [0], [0], [0, 0, 1, 0], [], []>, transpose_lhs_hint = false} : vector<256x256xf32>, vector<1x256xf32>, vector<256x1xf32> -> vector<256x1xf32>
      %mul3A_72 = arith.constant 256 : i32
      %mul3A_73 = arith.muli %while3A_53, %mul3A_72 : i32
      %get3A_74 = arith.constant 0 : index
      %get3A_75 = arith.constant 2 : index
      %get3A_76 = arith.index_cast %mul3A_73 : i32 to index
      %get3A_77 = vector.load %arg2[%get3A_74, %get3A_75, %get3A_76] : memref<1x4x5120xf32, #tpu.memory_space<vmem>>, vector<1x1x256xf32>
      %get3A_78 = vector.shape_cast %get3A_77 : vector<1x1x256xf32> to vector<256xf32>
      %reshape3A_79 = vector.shape_cast %get3A_78 : vector<256xf32> to vector<1x256xf32>
      %dot_general3A_80 = arith.constant dense<0.000000e+00> : vector<256x1xf32>
      %dot_general3A_81 = tpu.matmul %convert_element_type3A_7, %reshape3A_79, %dot_general3A_80 {dimension_numbers = #tpu.dot_dimension_numbers<[1], [1], [0], [0], [0, 0, 1, 0], [], []>, transpose_lhs_hint = false} : vector<256x256xf32>, vector<1x256xf32>, vector<256x1xf32> -> vector<256x1xf32>
      %mul3A_82 = arith.constant 256 : i32
      %mul3A_83 = arith.muli %while3A_53, %mul3A_82 : i32
      %get3A_84 = arith.constant 0 : index
      %get3A_85 = arith.constant 3 : index
      %get3A_86 = arith.index_cast %mul3A_83 : i32 to index
      %get3A_87 = vector.load %arg2[%get3A_84, %get3A_85, %get3A_86] : memref<1x4x5120xf32, #tpu.memory_space<vmem>>, vector<1x1x256xf32>
      %get3A_88 = vector.shape_cast %get3A_87 : vector<1x1x256xf32> to vector<256xf32>
      %reshape3A_89 = vector.shape_cast %get3A_88 : vector<256xf32> to vector<1x256xf32>
      %dot_general3A_90 = arith.constant dense<0.000000e+00> : vector<256x1xf32>
      %dot_general3A_91 = tpu.matmul %convert_element_type3A_7, %reshape3A_89, %dot_general3A_90 {dimension_numbers = #tpu.dot_dimension_numbers<[1], [1], [0], [0], [0, 0, 1, 0], [], []>, transpose_lhs_hint = false} : vector<256x256xf32>, vector<1x256xf32>, vector<256x1xf32> -> vector<256x1xf32>
      %mul3A_92 = arith.constant 256 : i32
      %mul3A_93 = arith.muli %while3A_53, %mul3A_92 : i32
      %swap3A_94 = arith.index_cast %mul3A_93 : i32 to index
      %swap3A_95 = arith.constant 0 : index
      %swap3A_96 = vector.load %arg4[%swap3A_94, %swap3A_95] : memref<5120x128xf32, #tpu.memory_space<vmem>>, vector<256x1xf32>
      tpu.vector_store %arg4[%swap3A_94, %swap3A_95], %dot_general3A_61 {strides = array<i32>} : memref<5120x128xf32, #tpu.memory_space<vmem>>, vector<256x1xf32>,
      %swap3A_97 = arith.index_cast %mul3A_93 : i32 to index
      %swap3A_98 = arith.constant 1 : index
      %swap3A_99 = vector.load %arg4[%swap3A_97, %swap3A_98] : memref<5120x128xf32, #tpu.memory_space<vmem>>, vector<256x1xf32>
      tpu.vector_store %arg4[%swap3A_97, %swap3A_98], %dot_general3A_71 {strides = array<i32>} : memref<5120x128xf32, #tpu.memory_space<vmem>>, vector<256x1xf32>,
      %swap3A_100 = arith.index_cast %mul3A_93 : i32 to index
      %swap3A_101 = arith.constant 2 : index
      %swap3A_102 = vector.load %arg4[%swap3A_100, %swap3A_101] : memref<5120x128xf32, #tpu.memory_space<vmem>>, vector<256x1xf32>
      tpu.vector_store %arg4[%swap3A_100, %swap3A_101], %dot_general3A_81 {strides = array<i32>} : memref<5120x128xf32, #tpu.memory_space<vmem>>, vector<256x1xf32>,
      %swap3A_103 = arith.index_cast %mul3A_93 : i32 to index
      %swap3A_104 = arith.constant 3 : index
      %swap3A_105 = vector.load %arg4[%swap3A_103, %swap3A_104] : memref<5120x128xf32, #tpu.memory_space<vmem>>, vector<256x1xf32>
      tpu.vector_store %arg4[%swap3A_103, %swap3A_104], %dot_general3A_91 {strides = array<i32>} : memref<5120x128xf32, #tpu.memory_space<vmem>>, vector<256x1xf32>,
      %sub3A_106 = arith.subf %dot_general3A_81, %dot_general3A_61 : vector<256x1xf32>
      %sub3A_107 = arith.subf %dot_general3A_91, %dot_general3A_71 : vector<256x1xf32>
      %mul3A_108 = arith.mulf %sub3A_106, %sub3A_107 : vector<256x1xf32>
      %swap3A_109 = arith.index_cast %mul3A_93 : i32 to index
      %swap3A_110 = arith.constant 4 : index
      %swap3A_111 = vector.load %arg4[%swap3A_109, %swap3A_110] : memref<5120x128xf32, #tpu.memory_space<vmem>>, vector<256x1xf32>
      tpu.vector_store %arg4[%swap3A_109, %swap3A_110], %mul3A_108 {strides = array<i32>} : memref<5120x128xf32, #tpu.memory_space<vmem>>, vector<256x1xf32>,
      %while3A_112 = arith.constant 0 : i32
      scf.yield %while3A_112 : i32
    }
    %while3A_39 = arith.constant 1 : i32
    %while3A_40 = scf.for %while3A_53 = %while3A_36 to %while3A_32 step %while3A_39 iter_args(%while3A_54 = %while3A_38) -> (i32)  : i32 {
      %mul3A = arith.constant 256 : i32
      %mul3A_55 = arith.muli %while3A_53, %mul3A : i32
      %get3A_56 = arith.constant 0 : index
      %get3A_57 = arith.constant 0 : index
      %get3A_58 = arith.index_cast %mul3A_55 : i32 to index
      %get3A_59 = vector.load %arg2[%get3A_56, %get3A_57, %get3A_58] : memref<1x4x5120xf32, #tpu.memory_space<vmem>>, vector<1x1x256xf32>
      %get3A_60 = vector.shape_cast %get3A_59 : vector<1x1x256xf32> to vector<256xf32>
      %reshape3A = vector.shape_cast %get3A_60 : vector<256xf32> to vector<1x256xf32>
      %dot_general3A = arith.constant dense<0.000000e+00> : vector<256x1xf32>
      %dot_general3A_61 = tpu.matmul %convert_element_type3A_7, %reshape3A, %dot_general3A {dimension_numbers = #tpu.dot_dimension_numbers<[1], [1], [0], [0], [0, 0, 1, 0], [], []>, transpose_lhs_hint = false} : vector<256x256xf32>, vector<1x256xf32>, vector<256x1xf32> -> vector<256x1xf32>
      %mul3A_62 = arith.constant 256 : i32
      %mul3A_63 = arith.muli %while3A_53, %mul3A_62 : i32
      %get3A_64 = arith.constant 0 : index
      %get3A_65 = arith.constant 1 : index
      %get3A_66 = arith.index_cast %mul3A_63 : i32 to index
      %get3A_67 = vector.load %arg2[%get3A_64, %get3A_65, %get3A_66] : memref<1x4x5120xf32, #tpu.memory_space<vmem>>, vector<1x1x256xf32>
      %get3A_68 = vector.shape_cast %get3A_67 : vector<1x1x256xf32> to vector<256xf32>
      %reshape3A_69 = vector.shape_cast %get3A_68 : vector<256xf32> to vector<1x256xf32>
      %dot_general3A_70 = arith.constant dense<0.000000e+00> : vector<256x1xf32>
      %dot_general3A_71 = tpu.matmul %convert_element_type3A_7, %reshape3A_69, %dot_general3A_70 {dimension_numbers = #tpu.dot_dimension_numbers<[1], [1], [0], [0], [0, 0, 1, 0], [], []>, transpose_lhs_hint = false} : vector<256x256xf32>, vector<1x256xf32>, vector<256x1xf32> -> vector<256x1xf32>
      %mul3A_72 = arith.constant 256 : i32
      %mul3A_73 = arith.muli %while3A_53, %mul3A_72 : i32
      %get3A_74 = arith.constant 0 : index
      %get3A_75 = arith.constant 2 : index
      %get3A_76 = arith.index_cast %mul3A_73 : i32 to index
      %get3A_77 = vector.load %arg2[%get3A_74, %get3A_75, %get3A_76] : memref<1x4x5120xf32, #tpu.memory_space<vmem>>, vector<1x1x256xf32>
      %get3A_78 = vector.shape_cast %get3A_77 : vector<1x1x256xf32> to vector<256xf32>
      %reshape3A_79 = vector.shape_cast %get3A_78 : vector<256xf32> to vector<1x256xf32>
      %dot_general3A_80 = arith.constant dense<0.000000e+00> : vector<256x1xf32>
      %dot_general3A_81 = tpu.matmul %convert_element_type3A_7, %reshape3A_79, %dot_general3A_80 {dimension_numbers = #tpu.dot_dimension_numbers<[1], [1], [0], [0], [0, 0, 1, 0], [], []>, transpose_lhs_hint = false} : vector<256x256xf32>, vector<1x256xf32>, vector<256x1xf32> -> vector<256x1xf32>
      %mul3A_82 = arith.constant 256 : i32
      %mul3A_83 = arith.muli %while3A_53, %mul3A_82 : i32
      %get3A_84 = arith.constant 0 : index
      %get3A_85 = arith.constant 3 : index
      %get3A_86 = arith.index_cast %mul3A_83 : i32 to index
      %get3A_87 = vector.load %arg2[%get3A_84, %get3A_85, %get3A_86] : memref<1x4x5120xf32, #tpu.memory_space<vmem>>, vector<1x1x256xf32>
      %get3A_88 = vector.shape_cast %get3A_87 : vector<1x1x256xf32> to vector<256xf32>
      %reshape3A_89 = vector.shape_cast %get3A_88 : vector<256xf32> to vector<1x256xf32>
      %dot_general3A_90 = arith.constant dense<0.000000e+00> : vector<256x1xf32>
      %dot_general3A_91 = tpu.matmul %convert_element_type3A_7, %reshape3A_89, %dot_general3A_90 {dimension_numbers = #tpu.dot_dimension_numbers<[1], [1], [0], [0], [0, 0, 1, 0], [], []>, transpose_lhs_hint = false} : vector<256x256xf32>, vector<1x256xf32>, vector<256x1xf32> -> vector<256x1xf32>
      %mul3A_92 = arith.constant 256 : i32
      %mul3A_93 = arith.muli %while3A_53, %mul3A_92 : i32
      %swap3A_94 = arith.index_cast %mul3A_93 : i32 to index
      %swap3A_95 = arith.constant 0 : index
      %swap3A_96 = vector.load %arg4[%swap3A_94, %swap3A_95] : memref<5120x128xf32, #tpu.memory_space<vmem>>, vector<256x1xf32>
      tpu.vector_store %arg4[%swap3A_94, %swap3A_95], %dot_general3A_61 {strides = array<i32>} : memref<5120x128xf32, #tpu.memory_space<vmem>>, vector<256x1xf32>,
      %swap3A_97 = arith.index_cast %mul3A_93 : i32 to index
      %swap3A_98 = arith.constant 1 : index
      %swap3A_99 = vector.load %arg4[%swap3A_97, %swap3A_98] : memref<5120x128xf32, #tpu.memory_space<vmem>>, vector<256x1xf32>
      tpu.vector_store %arg4[%swap3A_97, %swap3A_98], %dot_general3A_71 {strides = array<i32>} : memref<5120x128xf32, #tpu.memory_space<vmem>>, vector<256x1xf32>,
      %swap3A_100 = arith.index_cast %mul3A_93 : i32 to index
      %swap3A_101 = arith.constant 2 : index
      %swap3A_102 = vector.load %arg4[%swap3A_100, %swap3A_101] : memref<5120x128xf32, #tpu.memory_space<vmem>>, vector<256x1xf32>
      tpu.vector_store %arg4[%swap3A_100, %swap3A_101], %dot_general3A_81 {strides = array<i32>} : memref<5120x128xf32, #tpu.memory_space<vmem>>, vector<256x1xf32>,
      %swap3A_103 = arith.index_cast %mul3A_93 : i32 to index
      %swap3A_104 = arith.constant 3 : index
      %swap3A_105 = vector.load %arg4[%swap3A_103, %swap3A_104] : memref<5120x128xf32, #tpu.memory_space<vmem>>, vector<256x1xf32>
      tpu.vector_store %arg4[%swap3A_103, %swap3A_104], %dot_general3A_91 {strides = array<i32>} : memref<5120x128xf32, #tpu.memory_space<vmem>>, vector<256x1xf32>,
      %sub3A_106 = arith.subf %dot_general3A_81, %dot_general3A_61 : vector<256x1xf32>
      %sub3A_107 = arith.subf %dot_general3A_91, %dot_general3A_71 : vector<256x1xf32>
      %mul3A_108 = arith.mulf %sub3A_106, %sub3A_107 : vector<256x1xf32>
      %swap3A_109 = arith.index_cast %mul3A_93 : i32 to index
      %swap3A_110 = arith.constant 4 : index
      %swap3A_111 = vector.load %arg4[%swap3A_109, %swap3A_110] : memref<5120x128xf32, #tpu.memory_space<vmem>>, vector<256x1xf32>
      tpu.vector_store %arg4[%swap3A_109, %swap3A_110], %mul3A_108 {strides = array<i32>} : memref<5120x128xf32, #tpu.memory_space<vmem>>, vector<256x1xf32>,
      %while3A_112 = arith.constant 0 : i32
      scf.yield %while3A_112 : i32
    }
    %while3A_41 = arith.constant 0 : i32
    %while3A_42 = arith.constant 0 : i32
    %while3A_43 = arith.subi %select_n3A, %while3A_41 : i32
    %while3A_44 = arith.addi %while3A_41, %while3A_43 : i32
    %while3A_45 = arith.constant 1 : i32
    %while3A_46 = arith.divsi %while3A_43, %while3A_45 : i32
    %while3A_47 = arith.muli %while3A_46, %while3A_45 : i32
    %while3A_48 = arith.addi %while3A_41, %while3A_47 : i32
    %while3A_49 = arith.constant 1 : i32
    %while3A_50 = scf.for %while3A_53 = %while3A_41 to %while3A_48 step %while3A_49 iter_args(%while3A_54 = %while3A_42) -> (i32)  : i32 {
      %mul3A = arith.constant 256 : i32
      %mul3A_55 = arith.muli %while3A_53, %mul3A : i32
      %get3A_56 = arith.constant 0 : index
      %get3A_57 = arith.constant 0 : index
      %get3A_58 = arith.index_cast %mul3A_55 : i32 to index
      %get3A_59 = vector.load %arg2[%get3A_56, %get3A_57, %get3A_58] : memref<1x4x5120xf32, #tpu.memory_space<vmem>>, vector<1x1x256xf32>
      %get3A_60 = vector.shape_cast %get3A_59 : vector<1x1x256xf32> to vector<256xf32>
      %reshape3A = vector.shape_cast %get3A_60 : vector<256xf32> to vector<1x256xf32>
      %mul3A_61 = arith.constant 256 : i32
      %mul3A_62 = arith.muli %while3A_53, %mul3A_61 : i32
      %get3A_63 = arith.constant 0 : index
      %get3A_64 = arith.constant 1 : index
      %get3A_65 = arith.index_cast %mul3A_62 : i32 to index
      %get3A_66 = vector.load %arg2[%get3A_63, %get3A_64, %get3A_65] : memref<1x4x5120xf32, #tpu.memory_space<vmem>>, vector<1x1x256xf32>
      %get3A_67 = vector.shape_cast %get3A_66 : vector<1x1x256xf32> to vector<256xf32>
      %reshape3A_68 = vector.shape_cast %get3A_67 : vector<256xf32> to vector<1x256xf32>
      %mul3A_69 = arith.constant 256 : i32
      %mul3A_70 = arith.muli %while3A_53, %mul3A_69 : i32
      %get3A_71 = arith.constant 0 : index
      %get3A_72 = arith.constant 2 : index
      %get3A_73 = arith.index_cast %mul3A_70 : i32 to index
      %get3A_74 = vector.load %arg2[%get3A_71, %get3A_72, %get3A_73] : memref<1x4x5120xf32, #tpu.memory_space<vmem>>, vector<1x1x256xf32>
      %get3A_75 = vector.shape_cast %get3A_74 : vector<1x1x256xf32> to vector<256xf32>
      %reshape3A_76 = vector.shape_cast %get3A_75 : vector<256xf32> to vector<1x256xf32>
      %mul3A_77 = arith.constant 256 : i32
      %mul3A_78 = arith.muli %while3A_53, %mul3A_77 : i32
      %get3A_79 = arith.constant 0 : index
      %get3A_80 = arith.constant 3 : index
      %get3A_81 = arith.index_cast %mul3A_78 : i32 to index
      %get3A_82 = vector.load %arg2[%get3A_79, %get3A_80, %get3A_81] : memref<1x4x5120xf32, #tpu.memory_space<vmem>>, vector<1x1x256xf32>
      %get3A_83 = vector.shape_cast %get3A_82 : vector<1x1x256xf32> to vector<256xf32>
      %reshape3A_84 = vector.shape_cast %get3A_83 : vector<256xf32> to vector<1x256xf32>
      %sub3A_85 = arith.subf %reshape3A_76, %reshape3A : vector<1x256xf32>
      %sub3A_86 = arith.subf %reshape3A_84, %reshape3A_68 : vector<1x256xf32>
      %mul3A_87 = arith.mulf %sub3A_85, %sub3A_86 : vector<1x256xf32>
      %broadcast_in_dim3A_88 = arith.constant 0.000000e+00 : f32
      %broadcast_in_dim3A_89 = vector.broadcast %broadcast_in_dim3A_88 : f32 to vector<1x256xf32>
      %while3A_90 = arith.constant 0 : i32
      %while3A_91 = arith.subi %while3A_53, %while3A_90 : i32
      %while3A_92 = arith.addi %while3A_90, %while3A_91 : i32
      %while3A_93 = arith.constant 1 : i32
      %while3A_94 = arith.divsi %while3A_91, %while3A_93 : i32
      %while3A_95 = arith.muli %while3A_94, %while3A_93 : i32
      %while3A_96 = arith.addi %while3A_90, %while3A_95 : i32
      %while3A_97 = arith.constant 1 : i32
      %while3A_98 = scf.for %while3A_180 = %while3A_90 to %while3A_96 step %while3A_97 iter_args(%while3A_181 = %broadcast_in_dim3A_89) -> (vector<1x256xf32>)  : i32 {
        %mul3A_182 = arith.constant 256 : i32
        %mul3A_183 = arith.muli %while3A_180, %mul3A_182 : i32
        %get3A_184 = arith.index_cast %mul3A_183 : i32 to index
        %get3A_185 = arith.constant 0 : index
        %get3A_186 = vector.load %arg4[%get3A_184, %get3A_185] : memref<5120x128xf32, #tpu.memory_space<vmem>>, vector<256x1xf32>
        %get3A_187 = arith.index_cast %mul3A_183 : i32 to index
        %get3A_188 = arith.constant 1 : index
        %get3A_189 = vector.load %arg4[%get3A_187, %get3A_188] : memref<5120x128xf32, #tpu.memory_space<vmem>>, vector<256x1xf32>
        %get3A_190 = arith.index_cast %mul3A_183 : i32 to index
        %get3A_191 = arith.constant 2 : index
        %get3A_192 = vector.load %arg4[%get3A_190, %get3A_191] : memref<5120x128xf32, #tpu.memory_space<vmem>>, vector<256x1xf32>
        %get3A_193 = arith.index_cast %mul3A_183 : i32 to index
        %get3A_194 = arith.constant 3 : index
        %get3A_195 = vector.load %arg4[%get3A_193, %get3A_194] : memref<5120x128xf32, #tpu.memory_space<vmem>>, vector<256x1xf32>
        %get3A_196 = arith.index_cast %mul3A_183 : i32 to index
        %get3A_197 = arith.constant 4 : index
        %get3A_198 = vector.load %arg4[%get3A_196, %get3A_197] : memref<5120x128xf32, #tpu.memory_space<vmem>>, vector<256x1xf32>
        %min3A_199 = vector.broadcast %get3A_192 : vector<256x1xf32> to vector<256x256xf32>
        %min3A_200 = vector.broadcast %reshape3A_76 : vector<1x256xf32> to vector<256x256xf32>
        %min3A_201 = arith.minimumf %min3A_199, %min3A_200 : vector<256x256xf32>
        %max3A_202 = vector.broadcast %get3A_186 : vector<256x1xf32> to vector<256x256xf32>
        %max3A_203 = vector.broadcast %reshape3A : vector<1x256xf32> to vector<256x256xf32>
        %max3A_204 = arith.maximumf %max3A_202, %max3A_203 : vector<256x256xf32>
        %sub3A_205 = arith.subf %min3A_201, %max3A_204 : vector<256x256xf32>
        %max3A_206 = arith.constant 0.000000e+00 : f32
        %max3A_207 = vector.broadcast %max3A_206 : f32 to vector<256x256xf32>
        %max3A_208 = arith.maximumf %sub3A_205, %max3A_207 : vector<256x256xf32>
        %min3A_209 = vector.broadcast %get3A_195 : vector<256x1xf32> to vector<256x256xf32>
        %min3A_210 = vector.broadcast %reshape3A_84 : vector<1x256xf32> to vector<256x256xf32>
        %min3A_211 = arith.minimumf %min3A_209, %min3A_210 : vector<256x256xf32>
        %max3A_212 = vector.broadcast %get3A_189 : vector<256x1xf32> to vector<256x256xf32>
        %max3A_213 = vector.broadcast %reshape3A_68 : vector<1x256xf32> to vector<256x256xf32>
        %max3A_214 = arith.maximumf %max3A_212, %max3A_213 : vector<256x256xf32>
        %sub3A_215 = arith.subf %min3A_211, %max3A_214 : vector<256x256xf32>
        %max3A_216 = arith.constant 0.000000e+00 : f32
        %max3A_217 = vector.broadcast %max3A_216 : f32 to vector<256x256xf32>
        %max3A_218 = arith.maximumf %sub3A_215, %max3A_217 : vector<256x256xf32>
        %mul3A_219 = arith.mulf %max3A_208, %max3A_218 : vector<256x256xf32>
        %add3A_220 = vector.broadcast %get3A_198 : vector<256x1xf32> to vector<256x256xf32>
        %add3A_221 = vector.broadcast %mul3A_87 : vector<1x256xf32> to vector<256x256xf32>
        %add3A_222 = arith.addf %add3A_220, %add3A_221 : vector<256x256xf32>
        %sub3A_223 = arith.subf %add3A_222, %mul3A_219 : vector<256x256xf32>
        %add3A_224 = arith.constant 9.99999996E-13 : f32
        %add3A_225 = vector.broadcast %add3A_224 : f32 to vector<256x256xf32>
        %add3A_226 = arith.addf %sub3A_223, %add3A_225 : vector<256x256xf32>
        %div3A_227 = arith.divf %mul3A_219, %add3A_226 : vector<256x256xf32>
        %gt3A_228 = arith.constant 0.699999988 : f32
        %gt3A_229 = vector.broadcast %gt3A_228 : f32 to vector<256x256xf32>
        %gt3A_230 = arith.cmpf ogt, %div3A_227, %gt3A_229 : vector<256x256xf32>
        %jit3A_231 = arith.constant 1.000000e+00 : f32
        %jit3A_232 = arith.constant 0.000000e+00 : f32
        %broadcast_in_dim3A_233 = vector.broadcast %jit3A_231 : f32 to vector<256x256xf32>
        %broadcast_in_dim3A_234 = vector.broadcast %jit3A_232 : f32 to vector<256x256xf32>
        %select_n3A_235 = arith.select %gt3A_230, %broadcast_in_dim3A_233, %broadcast_in_dim3A_234 : vector<256x256xi1>, vector<256x256xf32>
        %convert_element_type3A_236 = arith.truncf %select_n3A_235 : vector<256x256xf32> to vector<256x256xbf16>
        %get3A_237 = arith.constant 0 : index
        %get3A_238 = arith.index_cast %while3A_180 : i32 to index
        %get3A_239 = arith.constant 0 : index
        %get3A_240 = vector.load %arg3[%get3A_237, %get3A_238, %get3A_239] : memref<1x20x256xf32, #tpu.memory_space<vmem>>, vector<1x1x256xf32>
        %get3A_241 = vector.shape_cast %get3A_240 : vector<1x1x256xf32> to vector<1x256xf32>
        %convert_element_type3A_242 = arith.truncf %get3A_241 : vector<1x256xf32> to vector<1x256xbf16>
        %dot_general3A_243 = arith.constant dense<0.000000e+00> : vector<1x256xf32>
        %dot_general3A_244 = tpu.matmul %convert_element_type3A_242, %convert_element_type3A_236, %dot_general3A_243 {dimension_numbers = #tpu.dot_dimension_numbers<[1], [0], [0], [1], [0, 0, 1, 1], [], []>, transpose_lhs_hint = false} : vector<1x256xbf16>, vector<256x256xbf16>, vector<1x256xf32> -> vector<1x256xf32>
        %add3A_245 = arith.addf %while3A_181, %dot_general3A_244 : vector<1x256xf32>
        scf.yield %add3A_245 : vector<1x256xf32>
      }
      %while3A_99 = arith.constant 1 : i32
      %while3A_100 = scf.for %while3A_180 = %while3A_96 to %while3A_92 step %while3A_99 iter_args(%while3A_181 = %while3A_98) -> (vector<1x256xf32>)  : i32 {
        %mul3A_182 = arith.constant 256 : i32
        %mul3A_183 = arith.muli %while3A_180, %mul3A_182 : i32
        %get3A_184 = arith.index_cast %mul3A_183 : i32 to index
        %get3A_185 = arith.constant 0 : index
        %get3A_186 = vector.load %arg4[%get3A_184, %get3A_185] : memref<5120x128xf32, #tpu.memory_space<vmem>>, vector<256x1xf32>
        %get3A_187 = arith.index_cast %mul3A_183 : i32 to index
        %get3A_188 = arith.constant 1 : index
        %get3A_189 = vector.load %arg4[%get3A_187, %get3A_188] : memref<5120x128xf32, #tpu.memory_space<vmem>>, vector<256x1xf32>
        %get3A_190 = arith.index_cast %mul3A_183 : i32 to index
        %get3A_191 = arith.constant 2 : index
        %get3A_192 = vector.load %arg4[%get3A_190, %get3A_191] : memref<5120x128xf32, #tpu.memory_space<vmem>>, vector<256x1xf32>
        %get3A_193 = arith.index_cast %mul3A_183 : i32 to index
        %get3A_194 = arith.constant 3 : index
        %get3A_195 = vector.load %arg4[%get3A_193, %get3A_194] : memref<5120x128xf32, #tpu.memory_space<vmem>>, vector<256x1xf32>
        %get3A_196 = arith.index_cast %mul3A_183 : i32 to index
        %get3A_197 = arith.constant 4 : index
        %get3A_198 = vector.load %arg4[%get3A_196, %get3A_197] : memref<5120x128xf32, #tpu.memory_space<vmem>>, vector<256x1xf32>
        %min3A_199 = vector.broadcast %get3A_192 : vector<256x1xf32> to vector<256x256xf32>
        %min3A_200 = vector.broadcast %reshape3A_76 : vector<1x256xf32> to vector<256x256xf32>
        %min3A_201 = arith.minimumf %min3A_199, %min3A_200 : vector<256x256xf32>
        %max3A_202 = vector.broadcast %get3A_186 : vector<256x1xf32> to vector<256x256xf32>
        %max3A_203 = vector.broadcast %reshape3A : vector<1x256xf32> to vector<256x256xf32>
        %max3A_204 = arith.maximumf %max3A_202, %max3A_203 : vector<256x256xf32>
        %sub3A_205 = arith.subf %min3A_201, %max3A_204 : vector<256x256xf32>
        %max3A_206 = arith.constant 0.000000e+00 : f32
        %max3A_207 = vector.broadcast %max3A_206 : f32 to vector<256x256xf32>
        %max3A_208 = arith.maximumf %sub3A_205, %max3A_207 : vector<256x256xf32>
        %min3A_209 = vector.broadcast %get3A_195 : vector<256x1xf32> to vector<256x256xf32>
        %min3A_210 = vector.broadcast %reshape3A_84 : vector<1x256xf32> to vector<256x256xf32>
        %min3A_211 = arith.minimumf %min3A_209, %min3A_210 : vector<256x256xf32>
        %max3A_212 = vector.broadcast %get3A_189 : vector<256x1xf32> to vector<256x256xf32>
        %max3A_213 = vector.broadcast %reshape3A_68 : vector<1x256xf32> to vector<256x256xf32>
        %max3A_214 = arith.maximumf %max3A_212, %max3A_213 : vector<256x256xf32>
        %sub3A_215 = arith.subf %min3A_211, %max3A_214 : vector<256x256xf32>
        %max3A_216 = arith.constant 0.000000e+00 : f32
        %max3A_217 = vector.broadcast %max3A_216 : f32 to vector<256x256xf32>
        %max3A_218 = arith.maximumf %sub3A_215, %max3A_217 : vector<256x256xf32>
        %mul3A_219 = arith.mulf %max3A_208, %max3A_218 : vector<256x256xf32>
        %add3A_220 = vector.broadcast %get3A_198 : vector<256x1xf32> to vector<256x256xf32>
        %add3A_221 = vector.broadcast %mul3A_87 : vector<1x256xf32> to vector<256x256xf32>
        %add3A_222 = arith.addf %add3A_220, %add3A_221 : vector<256x256xf32>
        %sub3A_223 = arith.subf %add3A_222, %mul3A_219 : vector<256x256xf32>
        %add3A_224 = arith.constant 9.99999996E-13 : f32
        %add3A_225 = vector.broadcast %add3A_224 : f32 to vector<256x256xf32>
        %add3A_226 = arith.addf %sub3A_223, %add3A_225 : vector<256x256xf32>
        %div3A_227 = arith.divf %mul3A_219, %add3A_226 : vector<256x256xf32>
        %gt3A_228 = arith.constant 0.699999988 : f32
        %gt3A_229 = vector.broadcast %gt3A_228 : f32 to vector<256x256xf32>
        %gt3A_230 = arith.cmpf ogt, %div3A_227, %gt3A_229 : vector<256x256xf32>
        %jit3A_231 = arith.constant 1.000000e+00 : f32
        %jit3A_232 = arith.constant 0.000000e+00 : f32
        %broadcast_in_dim3A_233 = vector.broadcast %jit3A_231 : f32 to vector<256x256xf32>
        %broadcast_in_dim3A_234 = vector.broadcast %jit3A_232 : f32 to vector<256x256xf32>
        %select_n3A_235 = arith.select %gt3A_230, %broadcast_in_dim3A_233, %broadcast_in_dim3A_234 : vector<256x256xi1>, vector<256x256xf32>
        %convert_element_type3A_236 = arith.truncf %select_n3A_235 : vector<256x256xf32> to vector<256x256xbf16>
        %get3A_237 = arith.constant 0 : index
        %get3A_238 = arith.index_cast %while3A_180 : i32 to index
        %get3A_239 = arith.constant 0 : index
        %get3A_240 = vector.load %arg3[%get3A_237, %get3A_238, %get3A_239] : memref<1x20x256xf32, #tpu.memory_space<vmem>>, vector<1x1x256xf32>
        %get3A_241 = vector.shape_cast %get3A_240 : vector<1x1x256xf32> to vector<1x256xf32>
        %convert_element_type3A_242 = arith.truncf %get3A_241 : vector<1x256xf32> to vector<1x256xbf16>
        %dot_general3A_243 = arith.constant dense<0.000000e+00> : vector<1x256xf32>
        %dot_general3A_244 = tpu.matmul %convert_element_type3A_242, %convert_element_type3A_236, %dot_general3A_243 {dimension_numbers = #tpu.dot_dimension_numbers<[1], [0], [0], [1], [0, 0, 1, 1], [], []>, transpose_lhs_hint = false} : vector<1x256xbf16>, vector<256x256xbf16>, vector<1x256xf32> -> vector<1x256xf32>
        %add3A_245 = arith.addf %while3A_181, %dot_general3A_244 : vector<1x256xf32>
        scf.yield %add3A_245 : vector<1x256xf32>
      }
      %gt3A = arith.constant 0.000000e+00 : f32
      %gt3A_101 = vector.broadcast %gt3A : f32 to vector<1x256xf32>
      %gt3A_102 = arith.cmpf ogt, %while3A_100, %gt3A_101 : vector<1x256xf32>
      %jit3A_103 = arith.constant 0.000000e+00 : f32
      %jit3A_104 = arith.constant 1.000000e+00 : f32
      %broadcast_in_dim3A_105 = vector.broadcast %jit3A_103 : f32 to vector<1x256xf32>
      %broadcast_in_dim3A_106 = vector.broadcast %jit3A_104 : f32 to vector<1x256xf32>
      %select_n3A_107 = arith.select %gt3A_102, %broadcast_in_dim3A_105, %broadcast_in_dim3A_106 : vector<1x256xi1>, vector<1x256xf32>
      %mul3A_108 = arith.constant 256 : i32
      %mul3A_109 = arith.muli %while3A_53, %mul3A_108 : i32
      %get3A_110 = arith.index_cast %mul3A_109 : i32 to index
      %get3A_111 = arith.constant 0 : index
      %get3A_112 = vector.load %arg4[%get3A_110, %get3A_111] : memref<5120x128xf32, #tpu.memory_space<vmem>>, vector<256x1xf32>
      %get3A_113 = arith.index_cast %mul3A_109 : i32 to index
      %get3A_114 = arith.constant 1 : index
      %get3A_115 = vector.load %arg4[%get3A_113, %get3A_114] : memref<5120x128xf32, #tpu.memory_space<vmem>>, vector<256x1xf32>
      %get3A_116 = arith.index_cast %mul3A_109 : i32 to index
      %get3A_117 = arith.constant 2 : index
      %get3A_118 = vector.load %arg4[%get3A_116, %get3A_117] : memref<5120x128xf32, #tpu.memory_space<vmem>>, vector<256x1xf32>
      %get3A_119 = arith.index_cast %mul3A_109 : i32 to index
      %get3A_120 = arith.constant 3 : index
      %get3A_121 = vector.load %arg4[%get3A_119, %get3A_120] : memref<5120x128xf32, #tpu.memory_space<vmem>>, vector<256x1xf32>
      %get3A_122 = arith.index_cast %mul3A_109 : i32 to index
      %get3A_123 = arith.constant 4 : index
      %get3A_124 = vector.load %arg4[%get3A_122, %get3A_123] : memref<5120x128xf32, #tpu.memory_space<vmem>>, vector<256x1xf32>
      %min3A = vector.broadcast %get3A_118 : vector<256x1xf32> to vector<256x256xf32>
      %min3A_125 = vector.broadcast %reshape3A_76 : vector<1x256xf32> to vector<256x256xf32>
      %min3A_126 = arith.minimumf %min3A, %min3A_125 : vector<256x256xf32>
      %max3A = vector.broadcast %get3A_112 : vector<256x1xf32> to vector<256x256xf32>
      %max3A_127 = vector.broadcast %reshape3A : vector<1x256xf32> to vector<256x256xf32>
      %max3A_128 = arith.maximumf %max3A, %max3A_127 : vector<256x256xf32>
      %sub3A_129 = arith.subf %min3A_126, %max3A_128 : vector<256x256xf32>
      %max3A_130 = arith.constant 0.000000e+00 : f32
      %max3A_131 = vector.broadcast %max3A_130 : f32 to vector<256x256xf32>
      %max3A_132 = arith.maximumf %sub3A_129, %max3A_131 : vector<256x256xf32>
      %min3A_133 = vector.broadcast %get3A_121 : vector<256x1xf32> to vector<256x256xf32>
      %min3A_134 = vector.broadcast %reshape3A_84 : vector<1x256xf32> to vector<256x256xf32>
      %min3A_135 = arith.minimumf %min3A_133, %min3A_134 : vector<256x256xf32>
      %max3A_136 = vector.broadcast %get3A_115 : vector<256x1xf32> to vector<256x256xf32>
      %max3A_137 = vector.broadcast %reshape3A_68 : vector<1x256xf32> to vector<256x256xf32>
      %max3A_138 = arith.maximumf %max3A_136, %max3A_137 : vector<256x256xf32>
      %sub3A_139 = arith.subf %min3A_135, %max3A_138 : vector<256x256xf32>
      %max3A_140 = arith.constant 0.000000e+00 : f32
      %max3A_141 = vector.broadcast %max3A_140 : f32 to vector<256x256xf32>
      %max3A_142 = arith.maximumf %sub3A_139, %max3A_141 : vector<256x256xf32>
      %mul3A_143 = arith.mulf %max3A_132, %max3A_142 : vector<256x256xf32>
      %add3A_144 = vector.broadcast %get3A_124 : vector<256x1xf32> to vector<256x256xf32>
      %add3A_145 = vector.broadcast %mul3A_87 : vector<1x256xf32> to vector<256x256xf32>
      %add3A_146 = arith.addf %add3A_144, %add3A_145 : vector<256x256xf32>
      %sub3A_147 = arith.subf %add3A_146, %mul3A_143 : vector<256x256xf32>
      %add3A_148 = arith.constant 9.99999996E-13 : f32
      %add3A_149 = vector.broadcast %add3A_148 : f32 to vector<256x256xf32>
      %add3A_150 = arith.addf %sub3A_147, %add3A_149 : vector<256x256xf32>
      %div3A_151 = arith.divf %mul3A_143, %add3A_150 : vector<256x256xf32>
      %gt3A_152 = arith.constant 0.699999988 : f32
      %gt3A_153 = vector.broadcast %gt3A_152 : f32 to vector<256x256xf32>
      %gt3A_154 = arith.cmpf ogt, %div3A_151, %gt3A_153 : vector<256x256xf32>
      %jit3A_155 = arith.constant 1.000000e+00 : f32
      %jit3A_156 = arith.constant 0.000000e+00 : f32
      %broadcast_in_dim3A_157 = vector.broadcast %jit3A_155 : f32 to vector<256x256xf32>
      %broadcast_in_dim3A_158 = vector.broadcast %jit3A_156 : f32 to vector<256x256xf32>
      %select_n3A_159 = arith.select %gt3A_154, %broadcast_in_dim3A_157, %broadcast_in_dim3A_158 : vector<256x256xi1>, vector<256x256xf32>
      %convert_element_type3A_160 = arith.truncf %select_n3A_159 : vector<256x256xf32> to vector<256x256xbf16>
      %jit3A_161 = arith.constant 0.000000e+00 : bf16
      %broadcast_in_dim3A_162 = vector.broadcast %jit3A_161 : bf16 to vector<256x256xbf16>
      %select_n3A_163 = arith.select %lt3A, %convert_element_type3A_160, %broadcast_in_dim3A_162 : vector<256x256xi1>, vector<256x256xbf16>
      %convert_element_type3A_164 = arith.truncf %select_n3A_107 : vector<1x256xf32> to vector<1x256xbf16>
      %dot_general3A = arith.constant dense<0.000000e+00> : vector<1x256xf32>
      %dot_general3A_165 = tpu.matmul %convert_element_type3A_164, %select_n3A_163, %dot_general3A {dimension_numbers = #tpu.dot_dimension_numbers<[1], [0], [0], [1], [0, 0, 1, 1], [], []>, transpose_lhs_hint = false} : vector<1x256xbf16>, vector<256x256xbf16>, vector<1x256xf32> -> vector<1x256xf32>
      %gt3A_166 = arith.constant 0.000000e+00 : f32
      %gt3A_167 = vector.broadcast %gt3A_166 : f32 to vector<1x256xf32>
      %gt3A_168 = arith.cmpf ogt, %dot_general3A_165, %gt3A_167 : vector<1x256xf32>
      %jit3A_169 = arith.constant 0.000000e+00 : f32
      %broadcast_in_dim3A_170 = vector.broadcast %jit3A_169 : f32 to vector<1x256xf32>
      %select_n3A_171 = arith.select %gt3A_168, %broadcast_in_dim3A_170, %select_n3A_107 : vector<1x256xi1>, vector<1x256xf32>
      %while3A_172:2 = scf.while (%while3A_180 = %select_n3A_171, %while3A_181 = %select_n3A_107) : (vector<1x256xf32>, vector<1x256xf32>) -> (vector<1x256xf32>, vector<1x256xf32>) {
        %ne3A_182 = arith.cmpf one, %while3A_180, %while3A_181 : vector<1x256xf32>
        %reduce_or3A = arith.constant 1.000000e+00 : f32
        %reduce_or3A_183 = arith.constant 0.000000e+00 : f32
        %reduce_or3A_184 = vector.broadcast %reduce_or3A : f32 to vector<1x256xf32>
        %reduce_or3A_185 = vector.broadcast %reduce_or3A_183 : f32 to vector<1x256xf32>
        %reduce_or3A_186 = arith.select %ne3A_182, %reduce_or3A_184, %reduce_or3A_185 : vector<1x256xi1>, vector<1x256xf32>
        %reduce_or3A_187 = vector.shape_cast %reduce_or3A_186 : vector<1x256xf32> to vector<1x1x256xf32>
        %reduce_or3A_188 = arith.constant dense<0xFF800000> : vector<1xf32>
        %reduce_or3A_189 = vector.multi_reduction <maximumf>, %reduce_or3A_187, %reduce_or3A_188 [1, 2] : vector<1x1x256xf32> to vector<1xf32>
        %reduce_or3A_190 = vector.shape_cast %reduce_or3A_189 : vector<1xf32> to vector<1x1x1xf32>
        %reduce_or3A_191 = vector.extract %reduce_or3A_190[0, 0, 0] : f32 from vector<1x1x1xf32>
        %reduce_or3A_192 = arith.constant 0.000000e+00 : f32
        %reduce_or3A_193 = arith.cmpf ogt, %reduce_or3A_191, %reduce_or3A_192 : f32
        scf.condition(%reduce_or3A_193) %while3A_180, %while3A_181 : vector<1x256xf32>, vector<1x256xf32>
      } do {
      ^bb0(%while3A_180: vector<1x256xf32>, %while3A_181: vector<1x256xf32>):
        %convert_element_type3A_182 = arith.truncf %while3A_180 : vector<1x256xf32> to vector<1x256xbf16>
        %dot_general3A_183 = arith.constant dense<0.000000e+00> : vector<1x256xf32>
        %dot_general3A_184 = tpu.matmul %convert_element_type3A_182, %select_n3A_163, %dot_general3A_183 {dimension_numbers = #tpu.dot_dimension_numbers<[1], [0], [0], [1], [0, 0, 1, 1], [], []>, transpose_lhs_hint = false} : vector<1x256xbf16>, vector<256x256xbf16>, vector<1x256xf32> -> vector<1x256xf32>
        %gt3A_185 = arith.constant 0.000000e+00 : f32
        %gt3A_186 = vector.broadcast %gt3A_185 : f32 to vector<1x256xf32>
        %gt3A_187 = arith.cmpf ogt, %dot_general3A_184, %gt3A_186 : vector<1x256xf32>
        %jit3A_188 = arith.constant 0.000000e+00 : f32
        %broadcast_in_dim3A_189 = vector.broadcast %jit3A_188 : f32 to vector<1x256xf32>
        %select_n3A_190 = arith.select %gt3A_187, %broadcast_in_dim3A_189, %select_n3A_107 : vector<1x256xi1>, vector<1x256xf32>
        scf.yield %select_n3A_190, %while3A_180 : vector<1x256xf32>, vector<1x256xf32>
      }
      %swap3A_173 = arith.constant 0 : index
      %swap3A_174 = arith.index_cast %while3A_53 : i32 to index
      %swap3A_175 = arith.constant 0 : index
      %swap3A_176 = vector.load %arg3[%swap3A_173, %swap3A_174, %swap3A_175] : memref<1x20x256xf32, #tpu.memory_space<vmem>>, vector<1x1x256xf32>
      %swap3A_177 = vector.shape_cast %swap3A_176 : vector<1x1x256xf32> to vector<1x256xf32>
      %swap3A_178 = vector.shape_cast %while3A_172#0 : vector<1x256xf32> to vector<1x1x256xf32>
      tpu.vector_store %arg3[%swap3A_173, %swap3A_174, %swap3A_175], %swap3A_178 {strides = array<i32>} : memref<1x20x256xf32, #tpu.memory_space<vmem>>, vector<1x1x256xf32>,
      %while3A_179 = arith.constant 0 : i32
      scf.yield %while3A_179 : i32
    }
    %while3A_51 = arith.constant 1 : i32
    %while3A_52 = scf.for %while3A_53 = %while3A_48 to %while3A_44 step %while3A_51 iter_args(%while3A_54 = %while3A_50) -> (i32)  : i32 {
      %mul3A = arith.constant 256 : i32
      %mul3A_55 = arith.muli %while3A_53, %mul3A : i32
      %get3A_56 = arith.constant 0 : index
      %get3A_57 = arith.constant 0 : index
      %get3A_58 = arith.index_cast %mul3A_55 : i32 to index
      %get3A_59 = vector.load %arg2[%get3A_56, %get3A_57, %get3A_58] : memref<1x4x5120xf32, #tpu.memory_space<vmem>>, vector<1x1x256xf32>
      %get3A_60 = vector.shape_cast %get3A_59 : vector<1x1x256xf32> to vector<256xf32>
      %reshape3A = vector.shape_cast %get3A_60 : vector<256xf32> to vector<1x256xf32>
      %mul3A_61 = arith.constant 256 : i32
      %mul3A_62 = arith.muli %while3A_53, %mul3A_61 : i32
      %get3A_63 = arith.constant 0 : index
      %get3A_64 = arith.constant 1 : index
      %get3A_65 = arith.index_cast %mul3A_62 : i32 to index
      %get3A_66 = vector.load %arg2[%get3A_63, %get3A_64, %get3A_65] : memref<1x4x5120xf32, #tpu.memory_space<vmem>>, vector<1x1x256xf32>
      %get3A_67 = vector.shape_cast %get3A_66 : vector<1x1x256xf32> to vector<256xf32>
      %reshape3A_68 = vector.shape_cast %get3A_67 : vector<256xf32> to vector<1x256xf32>
      %mul3A_69 = arith.constant 256 : i32
      %mul3A_70 = arith.muli %while3A_53, %mul3A_69 : i32
      %get3A_71 = arith.constant 0 : index
      %get3A_72 = arith.constant 2 : index
      %get3A_73 = arith.index_cast %mul3A_70 : i32 to index
      %get3A_74 = vector.load %arg2[%get3A_71, %get3A_72, %get3A_73] : memref<1x4x5120xf32, #tpu.memory_space<vmem>>, vector<1x1x256xf32>
      %get3A_75 = vector.shape_cast %get3A_74 : vector<1x1x256xf32> to vector<256xf32>
      %reshape3A_76 = vector.shape_cast %get3A_75 : vector<256xf32> to vector<1x256xf32>
      %mul3A_77 = arith.constant 256 : i32
      %mul3A_78 = arith.muli %while3A_53, %mul3A_77 : i32
      %get3A_79 = arith.constant 0 : index
      %get3A_80 = arith.constant 3 : index
      %get3A_81 = arith.index_cast %mul3A_78 : i32 to index
      %get3A_82 = vector.load %arg2[%get3A_79, %get3A_80, %get3A_81] : memref<1x4x5120xf32, #tpu.memory_space<vmem>>, vector<1x1x256xf32>
      %get3A_83 = vector.shape_cast %get3A_82 : vector<1x1x256xf32> to vector<256xf32>
      %reshape3A_84 = vector.shape_cast %get3A_83 : vector<256xf32> to vector<1x256xf32>
      %sub3A_85 = arith.subf %reshape3A_76, %reshape3A : vector<1x256xf32>
      %sub3A_86 = arith.subf %reshape3A_84, %reshape3A_68 : vector<1x256xf32>
      %mul3A_87 = arith.mulf %sub3A_85, %sub3A_86 : vector<1x256xf32>
      %broadcast_in_dim3A_88 = arith.constant 0.000000e+00 : f32
      %broadcast_in_dim3A_89 = vector.broadcast %broadcast_in_dim3A_88 : f32 to vector<1x256xf32>
      %while3A_90 = arith.constant 0 : i32
      %while3A_91 = arith.subi %while3A_53, %while3A_90 : i32
      %while3A_92 = arith.addi %while3A_90, %while3A_91 : i32
      %while3A_93 = arith.constant 1 : i32
      %while3A_94 = arith.divsi %while3A_91, %while3A_93 : i32
      %while3A_95 = arith.muli %while3A_94, %while3A_93 : i32
      %while3A_96 = arith.addi %while3A_90, %while3A_95 : i32
      %while3A_97 = arith.constant 1 : i32
      %while3A_98 = scf.for %while3A_180 = %while3A_90 to %while3A_96 step %while3A_97 iter_args(%while3A_181 = %broadcast_in_dim3A_89) -> (vector<1x256xf32>)  : i32 {
        %mul3A_182 = arith.constant 256 : i32
        %mul3A_183 = arith.muli %while3A_180, %mul3A_182 : i32
        %get3A_184 = arith.index_cast %mul3A_183 : i32 to index
        %get3A_185 = arith.constant 0 : index
        %get3A_186 = vector.load %arg4[%get3A_184, %get3A_185] : memref<5120x128xf32, #tpu.memory_space<vmem>>, vector<256x1xf32>
        %get3A_187 = arith.index_cast %mul3A_183 : i32 to index
        %get3A_188 = arith.constant 1 : index
        %get3A_189 = vector.load %arg4[%get3A_187, %get3A_188] : memref<5120x128xf32, #tpu.memory_space<vmem>>, vector<256x1xf32>
        %get3A_190 = arith.index_cast %mul3A_183 : i32 to index
        %get3A_191 = arith.constant 2 : index
        %get3A_192 = vector.load %arg4[%get3A_190, %get3A_191] : memref<5120x128xf32, #tpu.memory_space<vmem>>, vector<256x1xf32>
        %get3A_193 = arith.index_cast %mul3A_183 : i32 to index
        %get3A_194 = arith.constant 3 : index
        %get3A_195 = vector.load %arg4[%get3A_193, %get3A_194] : memref<5120x128xf32, #tpu.memory_space<vmem>>, vector<256x1xf32>
        %get3A_196 = arith.index_cast %mul3A_183 : i32 to index
        %get3A_197 = arith.constant 4 : index
        %get3A_198 = vector.load %arg4[%get3A_196, %get3A_197] : memref<5120x128xf32, #tpu.memory_space<vmem>>, vector<256x1xf32>
        %min3A_199 = vector.broadcast %get3A_192 : vector<256x1xf32> to vector<256x256xf32>
        %min3A_200 = vector.broadcast %reshape3A_76 : vector<1x256xf32> to vector<256x256xf32>
        %min3A_201 = arith.minimumf %min3A_199, %min3A_200 : vector<256x256xf32>
        %max3A_202 = vector.broadcast %get3A_186 : vector<256x1xf32> to vector<256x256xf32>
        %max3A_203 = vector.broadcast %reshape3A : vector<1x256xf32> to vector<256x256xf32>
        %max3A_204 = arith.maximumf %max3A_202, %max3A_203 : vector<256x256xf32>
        %sub3A_205 = arith.subf %min3A_201, %max3A_204 : vector<256x256xf32>
        %max3A_206 = arith.constant 0.000000e+00 : f32
        %max3A_207 = vector.broadcast %max3A_206 : f32 to vector<256x256xf32>
        %max3A_208 = arith.maximumf %sub3A_205, %max3A_207 : vector<256x256xf32>
        %min3A_209 = vector.broadcast %get3A_195 : vector<256x1xf32> to vector<256x256xf32>
        %min3A_210 = vector.broadcast %reshape3A_84 : vector<1x256xf32> to vector<256x256xf32>
        %min3A_211 = arith.minimumf %min3A_209, %min3A_210 : vector<256x256xf32>
        %max3A_212 = vector.broadcast %get3A_189 : vector<256x1xf32> to vector<256x256xf32>
        %max3A_213 = vector.broadcast %reshape3A_68 : vector<1x256xf32> to vector<256x256xf32>
        %max3A_214 = arith.maximumf %max3A_212, %max3A_213 : vector<256x256xf32>
        %sub3A_215 = arith.subf %min3A_211, %max3A_214 : vector<256x256xf32>
        %max3A_216 = arith.constant 0.000000e+00 : f32
        %max3A_217 = vector.broadcast %max3A_216 : f32 to vector<256x256xf32>
        %max3A_218 = arith.maximumf %sub3A_215, %max3A_217 : vector<256x256xf32>
        %mul3A_219 = arith.mulf %max3A_208, %max3A_218 : vector<256x256xf32>
        %add3A_220 = vector.broadcast %get3A_198 : vector<256x1xf32> to vector<256x256xf32>
        %add3A_221 = vector.broadcast %mul3A_87 : vector<1x256xf32> to vector<256x256xf32>
        %add3A_222 = arith.addf %add3A_220, %add3A_221 : vector<256x256xf32>
        %sub3A_223 = arith.subf %add3A_222, %mul3A_219 : vector<256x256xf32>
        %add3A_224 = arith.constant 9.99999996E-13 : f32
        %add3A_225 = vector.broadcast %add3A_224 : f32 to vector<256x256xf32>
        %add3A_226 = arith.addf %sub3A_223, %add3A_225 : vector<256x256xf32>
        %div3A_227 = arith.divf %mul3A_219, %add3A_226 : vector<256x256xf32>
        %gt3A_228 = arith.constant 0.699999988 : f32
        %gt3A_229 = vector.broadcast %gt3A_228 : f32 to vector<256x256xf32>
        %gt3A_230 = arith.cmpf ogt, %div3A_227, %gt3A_229 : vector<256x256xf32>
        %jit3A_231 = arith.constant 1.000000e+00 : f32
        %jit3A_232 = arith.constant 0.000000e+00 : f32
        %broadcast_in_dim3A_233 = vector.broadcast %jit3A_231 : f32 to vector<256x256xf32>
        %broadcast_in_dim3A_234 = vector.broadcast %jit3A_232 : f32 to vector<256x256xf32>
        %select_n3A_235 = arith.select %gt3A_230, %broadcast_in_dim3A_233, %broadcast_in_dim3A_234 : vector<256x256xi1>, vector<256x256xf32>
        %convert_element_type3A_236 = arith.truncf %select_n3A_235 : vector<256x256xf32> to vector<256x256xbf16>
        %get3A_237 = arith.constant 0 : index
        %get3A_238 = arith.index_cast %while3A_180 : i32 to index
        %get3A_239 = arith.constant 0 : index
        %get3A_240 = vector.load %arg3[%get3A_237, %get3A_238, %get3A_239] : memref<1x20x256xf32, #tpu.memory_space<vmem>>, vector<1x1x256xf32>
        %get3A_241 = vector.shape_cast %get3A_240 : vector<1x1x256xf32> to vector<1x256xf32>
        %convert_element_type3A_242 = arith.truncf %get3A_241 : vector<1x256xf32> to vector<1x256xbf16>
        %dot_general3A_243 = arith.constant dense<0.000000e+00> : vector<1x256xf32>
        %dot_general3A_244 = tpu.matmul %convert_element_type3A_242, %convert_element_type3A_236, %dot_general3A_243 {dimension_numbers = #tpu.dot_dimension_numbers<[1], [0], [0], [1], [0, 0, 1, 1], [], []>, transpose_lhs_hint = false} : vector<1x256xbf16>, vector<256x256xbf16>, vector<1x256xf32> -> vector<1x256xf32>
        %add3A_245 = arith.addf %while3A_181, %dot_general3A_244 : vector<1x256xf32>
        scf.yield %add3A_245 : vector<1x256xf32>
      }
      %while3A_99 = arith.constant 1 : i32
      %while3A_100 = scf.for %while3A_180 = %while3A_96 to %while3A_92 step %while3A_99 iter_args(%while3A_181 = %while3A_98) -> (vector<1x256xf32>)  : i32 {
        %mul3A_182 = arith.constant 256 : i32
        %mul3A_183 = arith.muli %while3A_180, %mul3A_182 : i32
        %get3A_184 = arith.index_cast %mul3A_183 : i32 to index
        %get3A_185 = arith.constant 0 : index
        %get3A_186 = vector.load %arg4[%get3A_184, %get3A_185] : memref<5120x128xf32, #tpu.memory_space<vmem>>, vector<256x1xf32>
        %get3A_187 = arith.index_cast %mul3A_183 : i32 to index
        %get3A_188 = arith.constant 1 : index
        %get3A_189 = vector.load %arg4[%get3A_187, %get3A_188] : memref<5120x128xf32, #tpu.memory_space<vmem>>, vector<256x1xf32>
        %get3A_190 = arith.index_cast %mul3A_183 : i32 to index
        %get3A_191 = arith.constant 2 : index
        %get3A_192 = vector.load %arg4[%get3A_190, %get3A_191] : memref<5120x128xf32, #tpu.memory_space<vmem>>, vector<256x1xf32>
        %get3A_193 = arith.index_cast %mul3A_183 : i32 to index
        %get3A_194 = arith.constant 3 : index
        %get3A_195 = vector.load %arg4[%get3A_193, %get3A_194] : memref<5120x128xf32, #tpu.memory_space<vmem>>, vector<256x1xf32>
        %get3A_196 = arith.index_cast %mul3A_183 : i32 to index
        %get3A_197 = arith.constant 4 : index
        %get3A_198 = vector.load %arg4[%get3A_196, %get3A_197] : memref<5120x128xf32, #tpu.memory_space<vmem>>, vector<256x1xf32>
        %min3A_199 = vector.broadcast %get3A_192 : vector<256x1xf32> to vector<256x256xf32>
        %min3A_200 = vector.broadcast %reshape3A_76 : vector<1x256xf32> to vector<256x256xf32>
        %min3A_201 = arith.minimumf %min3A_199, %min3A_200 : vector<256x256xf32>
        %max3A_202 = vector.broadcast %get3A_186 : vector<256x1xf32> to vector<256x256xf32>
        %max3A_203 = vector.broadcast %reshape3A : vector<1x256xf32> to vector<256x256xf32>
        %max3A_204 = arith.maximumf %max3A_202, %max3A_203 : vector<256x256xf32>
        %sub3A_205 = arith.subf %min3A_201, %max3A_204 : vector<256x256xf32>
        %max3A_206 = arith.constant 0.000000e+00 : f32
        %max3A_207 = vector.broadcast %max3A_206 : f32 to vector<256x256xf32>
        %max3A_208 = arith.maximumf %sub3A_205, %max3A_207 : vector<256x256xf32>
        %min3A_209 = vector.broadcast %get3A_195 : vector<256x1xf32> to vector<256x256xf32>
        %min3A_210 = vector.broadcast %reshape3A_84 : vector<1x256xf32> to vector<256x256xf32>
        %min3A_211 = arith.minimumf %min3A_209, %min3A_210 : vector<256x256xf32>
        %max3A_212 = vector.broadcast %get3A_189 : vector<256x1xf32> to vector<256x256xf32>
        %max3A_213 = vector.broadcast %reshape3A_68 : vector<1x256xf32> to vector<256x256xf32>
        %max3A_214 = arith.maximumf %max3A_212, %max3A_213 : vector<256x256xf32>
        %sub3A_215 = arith.subf %min3A_211, %max3A_214 : vector<256x256xf32>
        %max3A_216 = arith.constant 0.000000e+00 : f32
        %max3A_217 = vector.broadcast %max3A_216 : f32 to vector<256x256xf32>
        %max3A_218 = arith.maximumf %sub3A_215, %max3A_217 : vector<256x256xf32>
        %mul3A_219 = arith.mulf %max3A_208, %max3A_218 : vector<256x256xf32>
        %add3A_220 = vector.broadcast %get3A_198 : vector<256x1xf32> to vector<256x256xf32>
        %add3A_221 = vector.broadcast %mul3A_87 : vector<1x256xf32> to vector<256x256xf32>
        %add3A_222 = arith.addf %add3A_220, %add3A_221 : vector<256x256xf32>
        %sub3A_223 = arith.subf %add3A_222, %mul3A_219 : vector<256x256xf32>
        %add3A_224 = arith.constant 9.99999996E-13 : f32
        %add3A_225 = vector.broadcast %add3A_224 : f32 to vector<256x256xf32>
        %add3A_226 = arith.addf %sub3A_223, %add3A_225 : vector<256x256xf32>
        %div3A_227 = arith.divf %mul3A_219, %add3A_226 : vector<256x256xf32>
        %gt3A_228 = arith.constant 0.699999988 : f32
        %gt3A_229 = vector.broadcast %gt3A_228 : f32 to vector<256x256xf32>
        %gt3A_230 = arith.cmpf ogt, %div3A_227, %gt3A_229 : vector<256x256xf32>
        %jit3A_231 = arith.constant 1.000000e+00 : f32
        %jit3A_232 = arith.constant 0.000000e+00 : f32
        %broadcast_in_dim3A_233 = vector.broadcast %jit3A_231 : f32 to vector<256x256xf32>
        %broadcast_in_dim3A_234 = vector.broadcast %jit3A_232 : f32 to vector<256x256xf32>
        %select_n3A_235 = arith.select %gt3A_230, %broadcast_in_dim3A_233, %broadcast_in_dim3A_234 : vector<256x256xi1>, vector<256x256xf32>
        %convert_element_type3A_236 = arith.truncf %select_n3A_235 : vector<256x256xf32> to vector<256x256xbf16>
        %get3A_237 = arith.constant 0 : index
        %get3A_238 = arith.index_cast %while3A_180 : i32 to index
        %get3A_239 = arith.constant 0 : index
        %get3A_240 = vector.load %arg3[%get3A_237, %get3A_238, %get3A_239] : memref<1x20x256xf32, #tpu.memory_space<vmem>>, vector<1x1x256xf32>
        %get3A_241 = vector.shape_cast %get3A_240 : vector<1x1x256xf32> to vector<1x256xf32>
        %convert_element_type3A_242 = arith.truncf %get3A_241 : vector<1x256xf32> to vector<1x256xbf16>
        %dot_general3A_243 = arith.constant dense<0.000000e+00> : vector<1x256xf32>
        %dot_general3A_244 = tpu.matmul %convert_element_type3A_242, %convert_element_type3A_236, %dot_general3A_243 {dimension_numbers = #tpu.dot_dimension_numbers<[1], [0], [0], [1], [0, 0, 1, 1], [], []>, transpose_lhs_hint = false} : vector<1x256xbf16>, vector<256x256xbf16>, vector<1x256xf32> -> vector<1x256xf32>
        %add3A_245 = arith.addf %while3A_181, %dot_general3A_244 : vector<1x256xf32>
        scf.yield %add3A_245 : vector<1x256xf32>
      }
      %gt3A = arith.constant 0.000000e+00 : f32
      %gt3A_101 = vector.broadcast %gt3A : f32 to vector<1x256xf32>
      %gt3A_102 = arith.cmpf ogt, %while3A_100, %gt3A_101 : vector<1x256xf32>
      %jit3A_103 = arith.constant 0.000000e+00 : f32
      %jit3A_104 = arith.constant 1.000000e+00 : f32
      %broadcast_in_dim3A_105 = vector.broadcast %jit3A_103 : f32 to vector<1x256xf32>
      %broadcast_in_dim3A_106 = vector.broadcast %jit3A_104 : f32 to vector<1x256xf32>
      %select_n3A_107 = arith.select %gt3A_102, %broadcast_in_dim3A_105, %broadcast_in_dim3A_106 : vector<1x256xi1>, vector<1x256xf32>
      %mul3A_108 = arith.constant 256 : i32
      %mul3A_109 = arith.muli %while3A_53, %mul3A_108 : i32
      %get3A_110 = arith.index_cast %mul3A_109 : i32 to index
      %get3A_111 = arith.constant 0 : index
      %get3A_112 = vector.load %arg4[%get3A_110, %get3A_111] : memref<5120x128xf32, #tpu.memory_space<vmem>>, vector<256x1xf32>
      %get3A_113 = arith.index_cast %mul3A_109 : i32 to index
      %get3A_114 = arith.constant 1 : index
      %get3A_115 = vector.load %arg4[%get3A_113, %get3A_114] : memref<5120x128xf32, #tpu.memory_space<vmem>>, vector<256x1xf32>
      %get3A_116 = arith.index_cast %mul3A_109 : i32 to index
      %get3A_117 = arith.constant 2 : index
      %get3A_118 = vector.load %arg4[%get3A_116, %get3A_117] : memref<5120x128xf32, #tpu.memory_space<vmem>>, vector<256x1xf32>
      %get3A_119 = arith.index_cast %mul3A_109 : i32 to index
      %get3A_120 = arith.constant 3 : index
      %get3A_121 = vector.load %arg4[%get3A_119, %get3A_120] : memref<5120x128xf32, #tpu.memory_space<vmem>>, vector<256x1xf32>
      %get3A_122 = arith.index_cast %mul3A_109 : i32 to index
      %get3A_123 = arith.constant 4 : index
      %get3A_124 = vector.load %arg4[%get3A_122, %get3A_123] : memref<5120x128xf32, #tpu.memory_space<vmem>>, vector<256x1xf32>
      %min3A = vector.broadcast %get3A_118 : vector<256x1xf32> to vector<256x256xf32>
      %min3A_125 = vector.broadcast %reshape3A_76 : vector<1x256xf32> to vector<256x256xf32>
      %min3A_126 = arith.minimumf %min3A, %min3A_125 : vector<256x256xf32>
      %max3A = vector.broadcast %get3A_112 : vector<256x1xf32> to vector<256x256xf32>
      %max3A_127 = vector.broadcast %reshape3A : vector<1x256xf32> to vector<256x256xf32>
      %max3A_128 = arith.maximumf %max3A, %max3A_127 : vector<256x256xf32>
      %sub3A_129 = arith.subf %min3A_126, %max3A_128 : vector<256x256xf32>
      %max3A_130 = arith.constant 0.000000e+00 : f32
      %max3A_131 = vector.broadcast %max3A_130 : f32 to vector<256x256xf32>
      %max3A_132 = arith.maximumf %sub3A_129, %max3A_131 : vector<256x256xf32>
      %min3A_133 = vector.broadcast %get3A_121 : vector<256x1xf32> to vector<256x256xf32>
      %min3A_134 = vector.broadcast %reshape3A_84 : vector<1x256xf32> to vector<256x256xf32>
      %min3A_135 = arith.minimumf %min3A_133, %min3A_134 : vector<256x256xf32>
      %max3A_136 = vector.broadcast %get3A_115 : vector<256x1xf32> to vector<256x256xf32>
      %max3A_137 = vector.broadcast %reshape3A_68 : vector<1x256xf32> to vector<256x256xf32>
      %max3A_138 = arith.maximumf %max3A_136, %max3A_137 : vector<256x256xf32>
      %sub3A_139 = arith.subf %min3A_135, %max3A_138 : vector<256x256xf32>
      %max3A_140 = arith.constant 0.000000e+00 : f32
      %max3A_141 = vector.broadcast %max3A_140 : f32 to vector<256x256xf32>
      %max3A_142 = arith.maximumf %sub3A_139, %max3A_141 : vector<256x256xf32>
      %mul3A_143 = arith.mulf %max3A_132, %max3A_142 : vector<256x256xf32>
      %add3A_144 = vector.broadcast %get3A_124 : vector<256x1xf32> to vector<256x256xf32>
      %add3A_145 = vector.broadcast %mul3A_87 : vector<1x256xf32> to vector<256x256xf32>
      %add3A_146 = arith.addf %add3A_144, %add3A_145 : vector<256x256xf32>
      %sub3A_147 = arith.subf %add3A_146, %mul3A_143 : vector<256x256xf32>
      %add3A_148 = arith.constant 9.99999996E-13 : f32
      %add3A_149 = vector.broadcast %add3A_148 : f32 to vector<256x256xf32>
      %add3A_150 = arith.addf %sub3A_147, %add3A_149 : vector<256x256xf32>
      %div3A_151 = arith.divf %mul3A_143, %add3A_150 : vector<256x256xf32>
      %gt3A_152 = arith.constant 0.699999988 : f32
      %gt3A_153 = vector.broadcast %gt3A_152 : f32 to vector<256x256xf32>
      %gt3A_154 = arith.cmpf ogt, %div3A_151, %gt3A_153 : vector<256x256xf32>
      %jit3A_155 = arith.constant 1.000000e+00 : f32
      %jit3A_156 = arith.constant 0.000000e+00 : f32
      %broadcast_in_dim3A_157 = vector.broadcast %jit3A_155 : f32 to vector<256x256xf32>
      %broadcast_in_dim3A_158 = vector.broadcast %jit3A_156 : f32 to vector<256x256xf32>
      %select_n3A_159 = arith.select %gt3A_154, %broadcast_in_dim3A_157, %broadcast_in_dim3A_158 : vector<256x256xi1>, vector<256x256xf32>
      %convert_element_type3A_160 = arith.truncf %select_n3A_159 : vector<256x256xf32> to vector<256x256xbf16>
      %jit3A_161 = arith.constant 0.000000e+00 : bf16
      %broadcast_in_dim3A_162 = vector.broadcast %jit3A_161 : bf16 to vector<256x256xbf16>
      %select_n3A_163 = arith.select %lt3A, %convert_element_type3A_160, %broadcast_in_dim3A_162 : vector<256x256xi1>, vector<256x256xbf16>
      %convert_element_type3A_164 = arith.truncf %select_n3A_107 : vector<1x256xf32> to vector<1x256xbf16>
      %dot_general3A = arith.constant dense<0.000000e+00> : vector<1x256xf32>
      %dot_general3A_165 = tpu.matmul %convert_element_type3A_164, %select_n3A_163, %dot_general3A {dimension_numbers = #tpu.dot_dimension_numbers<[1], [0], [0], [1], [0, 0, 1, 1], [], []>, transpose_lhs_hint = false} : vector<1x256xbf16>, vector<256x256xbf16>, vector<1x256xf32> -> vector<1x256xf32>
      %gt3A_166 = arith.constant 0.000000e+00 : f32
      %gt3A_167 = vector.broadcast %gt3A_166 : f32 to vector<1x256xf32>
      %gt3A_168 = arith.cmpf ogt, %dot_general3A_165, %gt3A_167 : vector<1x256xf32>
      %jit3A_169 = arith.constant 0.000000e+00 : f32
      %broadcast_in_dim3A_170 = vector.broadcast %jit3A_169 : f32 to vector<1x256xf32>
      %select_n3A_171 = arith.select %gt3A_168, %broadcast_in_dim3A_170, %select_n3A_107 : vector<1x256xi1>, vector<1x256xf32>
      %while3A_172:2 = scf.while (%while3A_180 = %select_n3A_171, %while3A_181 = %select_n3A_107) : (vector<1x256xf32>, vector<1x256xf32>) -> (vector<1x256xf32>, vector<1x256xf32>) {
        %ne3A_182 = arith.cmpf one, %while3A_180, %while3A_181 : vector<1x256xf32>
        %reduce_or3A = arith.constant 1.000000e+00 : f32
        %reduce_or3A_183 = arith.constant 0.000000e+00 : f32
        %reduce_or3A_184 = vector.broadcast %reduce_or3A : f32 to vector<1x256xf32>
        %reduce_or3A_185 = vector.broadcast %reduce_or3A_183 : f32 to vector<1x256xf32>
        %reduce_or3A_186 = arith.select %ne3A_182, %reduce_or3A_184, %reduce_or3A_185 : vector<1x256xi1>, vector<1x256xf32>
        %reduce_or3A_187 = vector.shape_cast %reduce_or3A_186 : vector<1x256xf32> to vector<1x1x256xf32>
        %reduce_or3A_188 = arith.constant dense<0xFF800000> : vector<1xf32>
        %reduce_or3A_189 = vector.multi_reduction <maximumf>, %reduce_or3A_187, %reduce_or3A_188 [1, 2] : vector<1x1x256xf32> to vector<1xf32>
        %reduce_or3A_190 = vector.shape_cast %reduce_or3A_189 : vector<1xf32> to vector<1x1x1xf32>
        %reduce_or3A_191 = vector.extract %reduce_or3A_190[0, 0, 0] : f32 from vector<1x1x1xf32>
        %reduce_or3A_192 = arith.constant 0.000000e+00 : f32
        %reduce_or3A_193 = arith.cmpf ogt, %reduce_or3A_191, %reduce_or3A_192 : f32
        scf.condition(%reduce_or3A_193) %while3A_180, %while3A_181 : vector<1x256xf32>, vector<1x256xf32>
      } do {
      ^bb0(%while3A_180: vector<1x256xf32>, %while3A_181: vector<1x256xf32>):
        %convert_element_type3A_182 = arith.truncf %while3A_180 : vector<1x256xf32> to vector<1x256xbf16>
        %dot_general3A_183 = arith.constant dense<0.000000e+00> : vector<1x256xf32>
        %dot_general3A_184 = tpu.matmul %convert_element_type3A_182, %select_n3A_163, %dot_general3A_183 {dimension_numbers = #tpu.dot_dimension_numbers<[1], [0], [0], [1], [0, 0, 1, 1], [], []>, transpose_lhs_hint = false} : vector<1x256xbf16>, vector<256x256xbf16>, vector<1x256xf32> -> vector<1x256xf32>
        %gt3A_185 = arith.constant 0.000000e+00 : f32
        %gt3A_186 = vector.broadcast %gt3A_185 : f32 to vector<1x256xf32>
        %gt3A_187 = arith.cmpf ogt, %dot_general3A_184, %gt3A_186 : vector<1x256xf32>
        %jit3A_188 = arith.constant 0.000000e+00 : f32
        %broadcast_in_dim3A_189 = vector.broadcast %jit3A_188 : f32 to vector<1x256xf32>
        %select_n3A_190 = arith.select %gt3A_187, %broadcast_in_dim3A_189, %select_n3A_107 : vector<1x256xi1>, vector<1x256xf32>
        scf.yield %select_n3A_190, %while3A_180 : vector<1x256xf32>, vector<1x256xf32>
      }
      %swap3A_173 = arith.constant 0 : index
      %swap3A_174 = arith.index_cast %while3A_53 : i32 to index
      %swap3A_175 = arith.constant 0 : index
      %swap3A_176 = vector.load %arg3[%swap3A_173, %swap3A_174, %swap3A_175] : memref<1x20x256xf32, #tpu.memory_space<vmem>>, vector<1x1x256xf32>
      %swap3A_177 = vector.shape_cast %swap3A_176 : vector<1x1x256xf32> to vector<1x256xf32>
      %swap3A_178 = vector.shape_cast %while3A_172#0 : vector<1x256xf32> to vector<1x1x256xf32>
      tpu.vector_store %arg3[%swap3A_173, %swap3A_174, %swap3A_175], %swap3A_178 {strides = array<i32>} : memref<1x20x256xf32, #tpu.memory_space<vmem>>, vector<1x1x256xf32>,
      %while3A_179 = arith.constant 0 : i32
      scf.yield %while3A_179 : i32
    }
    return
  }
  func.func @transform_0(%arg0: i32, %arg1: memref<8xi32, #tpu.memory_space<smem>>) -> (i32, i32, i32) {
    %c0_i32 = arith.constant 0 : i32
    %c0_i32_0 = arith.constant 0 : i32
    %c0_i32_1 = arith.constant 0 : i32
    return %arg0, %c0_i32, %c0_i32_0 : i32, i32, i32
  }
  func.func @transform_1(%arg0: i32, %arg1: memref<8xi32, #tpu.memory_space<smem>>) -> (i32, i32, i32) {
    %c0_i32 = arith.constant 0 : i32
    %c0_i32_0 = arith.constant 0 : i32
    %c0_i32_1 = arith.constant 0 : i32
    return %arg0, %c0_i32, %c0_i32_0 : i32, i32, i32
  }
}

</mosaic_0001>

<sc_bundles>
// kernel: gather_offload_async_start.1
scs
__scs_entry_jumppad:
0x0: {  	(pc) =	sbr.rel $0x88, $3  }
0x1: {  	(tag) =	ssettag $0x0;
	lr =	simm.s32 $0x1  }
0x2: {  	[smem:$0x3F9E] =	sst lr;
	_ =	strace $0xD0000000  }
0x3: {  	_ = 	snop  }
0x4: {  	_ = 	snop  }
0x5: {  	_ = 	snop  }
0x6: {  	_ = 	snop  }
0x7: {  	_ = 	snop  }
__scs_overlays_trampoline_lowered:
0x8: {  	[smem:$0x3FAD] =	sst s0  }
0x9: {  	[smem:$0x3FAE] =	sst s1  }
0xa: {  	[smem:$0x3FAF] =	sst s2  }
0xb: {  	[smem:$0x3FB0] =	sst s3  }
0xc: {  	[smem:$0x3FB1] =	sst s4  }
0xd: {  	[smem:$0x3FB2] =	sst s5  }
0xe: {  	[smem:$0x3FB3] =	sst s6  }
0xf: {  	[smem:$0x3FB4] =	sst s7  }
0x10: {  	[smem:$0x3FB5] =	sst s8  }
0x11: {  	[smem:$0x3FB6] =	sst s9;
	s0 =	simm.s32 @!p0 $0x0  }
0x12: {  	s1 =	sld [smem:$0x3F9C];
	s0 =	simm.s32 @p0 $0x1  }
0x13: {  	[smem:$0x3FB7] =	sst s0;
	s0 =	simm.s32 @!p1 $0x0  }
0x14: {  	s2 =	sld [smem:$0x3F9B];
	s0 =	simm.s32 @p1 $0x1  }
0x15: {  	[smem:$0x3FB8] =	sst s0;
	s0 =	simm.s32 @!p2 $0x0  }
0x16: {  	s3 =	sld [smem:$0x3FDB];
	s0 =	simm.s32 @p2 $0x1  }
0x17: {  	s4 =	simm.s32 $0x1BF5;
	[smem:$0x3FBA] =	sst s0  }
0x18: {  	s0 =	sld [smem:$0x3F9D];
	_ =	swait.ge [sflag:s4], $0x0  }
0x19: {  	s7 =	sld [smem:$0x3F9E]  }
0x1a: {  	s8 =	sadd.s32 $0xFFFFE003, lr  }
0x1b: {  	s9 =	sadd.s32 $0xFFFFFEF7, lr;
	s5 =	simm.s32 $0xFFFFFFFF;
	p2 =	slt.u32 s8, $0xFFFFF086  }
0x1c: {  	p1 =	slt.u32 s9, $0xF7A;
	s5 =	simm.s32 @!p2 $0x0  }
0x1d: {  	s5 =	simm.s32 @p1 $0x1;
	p0 =	seq.s32 s7, s2  }
0x1e: {  	s7 =	smul.u32 @!p0 $0xF7A, s2;
	p2 =	seq.s32 @!p0 s5, $0x0  }
0x1f: {  	s9 =	smul.u32 $0xF7A, s1;
	s8 =	simm.s32 @!p0 $0x1BF5;
	p2 =	por !p2, p0  }
0x20: {  	[sflag:s8] =	ssyncset.s32 @!p0 $0xFFFFF086;
	s6 =	sadd.s32 @!p0 s3, s7;
	s7 =	simm.s32 @!p0 $0x108  }
0x21: {  	s3 =	sadd.s32 s3, s9;
	s6 =	sadd.s32 @!p0 $0x88, s6;
	s7 =	simm.s32 @p2 $0x1082  }
0x22: {  	[simem:s7], [sflag:s8] =	dma.local @!p0 [hbm:s6], $0xF7A  }
0x23: {  	s9 =	sor.u32 $0xD0000000, s2;
	s6 =	simm.s32 $0x108;
	_ =	swait.ge @!p0 [sflag:s8], $0x0  }
0x24: {  	s3 =	sadd.s32 $0x88, s3;
	s6 =	simm.s32 @!p1 $0x1082;
	[sflag:s4] =	ssyncset.s32 $0xFFFFF086  }
0x25: {  	[simem:s6], [sflag:s4] =	dma.local [hbm:s3], $0xF7A  }
0x26: {  	[smem:$0x3F9E] =	sst s1;
	(tag) =	ssettag s2;
	_ =	strace s9  }
0x27: {  	s1 =	sld [smem:$0x3FAE]  }
0x28: {  	s2 =	sld [smem:$0x3FAF]  }
0x29: {  	s4 =	sld [smem:$0x3FB1]  }
0x2a: {  	p0 =	seq.s32 s5, $0x0;
	s5 =	sld [smem:$0x3FB2]  }
0x2b: {  	s6 =	sld [smem:$0x3FB3]  }
0x2c: {  	s7 =	sld [smem:$0x3FB4]  }
0x2d: {  	s3 =	simm.s32 $0x108;
	s8 =	sld [smem:$0x3FB5]  }
0x2e: {  	s3 =	simm.s32 @!p0 $0x1082;
	s9 =	sld [smem:$0x3FB6]  }
0x2f: {  	lr =	sadd.s32 s0, s3;
	s0 =	sld [smem:$0x3FAD]  }
0x30: {  	s3 =	sld [smem:$0x3FB0]  }
0x31: {  	[smem:$0x3FB9] =	sst s10  }
0x32: {  	s10 =	sld [smem:$0x3FB7];
	_ =	sdelay $0x3  }
0x33: {  	p0 =	seq.s32 s10, $0x1;
	s10 =	sld [smem:$0x3FB9];
	_ =	sdelay $0x3  }
0x34: {  	[smem:$0x3FB9] =	sst s10  }
0x35: {  	s10 =	sld [smem:$0x3FB8];
	_ =	sdelay $0x3  }
0x36: {  	p1 =	seq.s32 s10, $0x1;
	s10 =	sld [smem:$0x3FB9];
	_ =	sdelay $0x3  }
0x37: {  	[smem:$0x3FB9] =	sst s10  }
0x38: {  	s10 =	sld [smem:$0x3FBA]  }
0x39: {  	_ = 	snop;
	(pc) =	sbr.ind lr, $3  }
0x3a: {  	_ = 	snop  }
0x3b: {  	_ = 	snop  }
0x3c: {  	p2 =	seq.s32 s10, $0x1;
	s10 =	sld [smem:$0x3FB9]  }
0x3d: {  	_ =	shalt  }
0x3e: {  	_ =	shalt  }
0x3f: {  	_ =	shalt  }
0x40: {  	_ =	shalt  }
0x41: {  	_ =	shalt  }
0x42: {  	_ =	shalt  }
0x43: {  	_ =	shalt  }
0x44: {  	_ =	shalt  }
0x45: {  	_ =	shalt  }
0x46: {  	_ =	shalt  }
0x47: {  	_ =	shalt  }
0x48: {  	_ =	shalt  }
0x49: {  	_ =	shalt  }
0x4a: {  	_ =	shalt  }
0x4b: {  	_ =	shalt  }
0x4c: {  	_ =	shalt  }
0x4d: {  	_ =	shalt  }
0x4e: {  	_ =	shalt  }
0x4f: {  	_ =	shalt  }
0x50: {  	_ =	shalt  }
0x51: {  	_ =	shalt  }
0x52: {  	_ =	shalt  }
0x53: {  	_ =	shalt  }
0x54: {  	_ =	shalt  }
0x55: {  	_ =	shalt  }
0x56: {  	_ =	shalt  }
0x57: {  	_ =	shalt  }
0x58: {  	_ =	shalt  }
0x59: {  	_ =	shalt  }
0x5a: {  	_ =	shalt  }
0x5b: {  	_ =	shalt  }
0x5c: {  	_ =	shalt  }
0x5d: {  	_ =	shalt  }
0x5e: {  	_ =	shalt  }
0x5f: {  	_ =	shalt  }
0x60: {  	_ =	shalt  }
0x61: {  	_ =	shalt  }
0x62: {  	_ =	shalt  }
0x63: {  	_ =	shalt  }
0x64: {  	_ =	shalt  }
0x65: {  	_ =	shalt  }
0x66: {  	_ =	shalt  }
0x67: {  	_ =	shalt  }
0x68: {  	_ =	shalt  }
0x69: {  	_ =	shalt  }
0x6a: {  	_ =	shalt  }
0x6b: {  	_ =	shalt  }
0x6c: {  	_ =	shalt  }
0x6d: {  	_ =	shalt  }
0x6e: {  	_ =	shalt  }
0x6f: {  	_ =	shalt  }
0x70: {  	_ =	shalt  }
0x71: {  	_ =	shalt  }
0x72: {  	_ =	shalt  }
0x73: {  	_ =	shalt  }
0x74: {  	_ =	shalt  }
0x75: {  	_ =	shalt  }
0x76: {  	_ =	shalt  }
0x77: {  	_ =	shalt  }
0x78: {  	_ =	shalt  }
0x79: {  	_ =	shalt  }
0x7a: {  	_ =	shalt  }
0x7b: {  	_ =	shalt  }
0x7c: {  	_ =	shalt  }
0x7d: {  	_ =	shalt  }
0x7e: {  	_ =	shalt  }
0x7f: {  	_ =	shalt  }
0x80: {  	_ =	shalt  }
0x81: {  	_ =	shalt  }
0x82: {  	_ =	shalt  }
0x83: {  	_ =	shalt  }
0x84: {  	_ =	shalt  }
0x85: {  	_ =	shalt  }
0x86: {  	_ =	shalt  }
0x87: {  	_ =	shalt  }
.Lfunc_end0:
.L_simem_size_0:
called_computation.1_lowered:
.L_overlay_start_0:
0x88: {  	s2 =	sld [smem:$0x3FD9]  }
0x89: {  	s3 =	sld [smem:$0x3FFE];
	_ =	sdelay $0x1  }
0x8a: {  	s1 =	srdreg.scid  }
0x8b: {  	s0 =	sand.u32 $0x1, s1  }
0x8c: {  	s15 =	sshll.u32 s0, $0xA;
	s2 =	sadd.s32 s3, s2  }
0x8d: {  	s2 =	sadd.s32 s2, s15  }
0x8e: {  	[smem:$0x3FC5] =	sst s2  }
0x8f: {  	_ = 	snop  }
0x90: {  	s2 =	sld [smem:$0x3FD0];
	_ =	sdelay $0x2  }
0x91: {  	s16 =	simm.s32 $0xA;
	s4 =	simm.s32 $0x10  }
0x92: {  	[smem:s4], [sflag:s16] =	dma.local [hbm:s2], $0x1  }
0x93: {  	_ =	swait.eq [sflag:s16], $0x1  }
0x94: {  	s17 =	sld [smem:$0x11];
	[sflag:s16] =	ssyncset.done $0x0  }
0x95: {  	s18 =	sld [smem:$0x12];
	[sflag:s16] =	ssyncadd.s32 $0xFFFFFFFF  }
0x96: {  	s19 =	sld [smem:$0x13];
	(tm) =	ssettm $0x1  }
0x97: {  	s5 =	sld [smem:$0x3FFB];
	_ =	sdelay $0x3  }
0x98: {  	_ =	strace s5  }
0x99: {  	s5 =	sld [smem:$0x3FFC];
	_ =	sdelay $0x3  }
0x9a: {  	_ =	strace s5  }
0x9b: {  	s5 =	sld [smem:$0x3FFD];
	_ =	sdelay $0x3  }
0x9c: {  	_ =	strace s5  }
0x9d: {  	_ =	strace $0x8FFFFFFF  }
0x9e: {  	s20 =	sld [smem:$0x3FDB];
	_ =	sdelay $0x1  }
0x9f: {  	s6 =	simm.s32 $_scs_section_size  }
0xa0: {  	s7 =	simm.s32 $_size__tile_overlayer_lowered;
	s8 =	simm.s32 $_tile_overlayer_lowered  }
0xa1: {  	s23 =	simm.s32 $0x1BFF;
	s22 =	sshll.u32 s8, $0x1;
	s5 =	sadd.s32 s6, s20  }
0xa2: {  	s9 =	simm.s32 $0x0;
	s21 =	sshll.u32 s7, $0x1;
	s7 =	sadd.s32 s22, s5  }
0xa3: {  	[timem:s9], [sflag:s23] =	dma.local [hbm:s7], s21  }
0xa4: {  	_ =	swait.ge [sflag:s23], s21  }
0xa5: {  	s6 =	ssub.s32 $0x0, s21;
	[sflag:s23] =	ssyncset.done $0x0  }
0xa6: {  	[sflag:s23] =	ssyncadd.s32 s6;
	_ =	sdelay $0x1  }
0xa7: {  	s24 =	simm.s32 $0x1B8B  }
0xa8: {  	_ =	swait.ge [sflag:s24], $0x1  }
0xa9: {  	[sflag:s24] =	ssyncset.done $0x0  }
0xaa: {  	s25 =	simm.s32 $0x1B8E;
	[sflag:s24] =	ssyncadd.s32 $0xFFFFFFFF  }
0xab: {  	s26 =	simm.s32 $execute0_lowered;
	[smem:$0x3FD2] =	sst s25  }
0xac: {  	s6 =	sshll.u32 s26, $0x1;
	_ =	strace $0x80000049;
	[dreg:$0x1] =	wrdreg $0xFFFFFFFF  }
0xad: {  	s28 =	simm.s32 $_size_execute0_lowered;
	s5 =	sadd.s32 s5, s6;
	[dreg:$0x0] =	wrdreg $0x0  }
0xae: {  	s6 =	sshll.u32 s28, $0x1;
	[dreg:$0x2] =	wrdreg s5  }
0xaf: {  	[dreg:$0x3] =	wrdreg s6  }
0xb0: {  	[dreg:$0x4] =	wrdreg $0xC0  }
0xb1: {  	_ =	task [dreg:s9], $0x5FFFF  }
0xb2: {  	[dreg:$0x1] =	wrdreg $0xFFFFFFFF  }
0xb3: {  	[dreg:$0x0] =	wrdreg $0x60  }
0xb4: {  	[dreg:$0x2] =	wrdreg s19  }
0xb5: {  	[dreg:$0x3] =	wrdreg s18  }
0xb6: {  	[dreg:$0x4] =	wrdreg s17  }
0xb7: {  	[dreg:$0x5] =	wrdreg $0x9  }
0xb8: {  	_ =	task.clear_ibuf [dreg:s9], $0x6FFFF;
	_ =	strace $0x90000049  }
0xb9: {  	s29 =	simm.s32 $0x9;
	_ =	strace $0x8000004B  }
0xba: {  	_ =	swait.ge [sflag:s29], $0x1  }
0xbb: {  	[sflag:s29] =	ssyncadd.s32 $0xFFFFFFFF  }
0xbc: {  	_ =	strace $0x9000004B  }
0xbd: {  	_ =	sfence  }
0xbe: {  	s30 =	sld [smem:$0x0];
	_ =	sdelay $0x2  }
0xbf: {  	s31 =	sshll.u32 s1, $0xD;
	s1 =	sshrl.u32 s1, $0x2  }
0xc0: {  	s3 =	sand.u32 $0x4000, s31;
	s1 =	sadd.s32 s1, s30  }
0xc1: {  	s0 =	sor.u32 s3, s0;
	s1 =	sshll.u32 s1, $0x11  }
0xc2: {  	s0 =	sor.u32 s1, s0  }
0xc3: {  	s0 =	sadd.s32 $0x8F2B, s0  }
0xc4: {  	[sflag:s0] =	ssyncadd.remote.s32 $0x1  }
0xc5: {  	_ =	sfence.sel $0xFFFF  }
0xc6: {  	[dreg:$0x0] =	wrdreg $0xFFFFFFFF;
	(pc) =	sbr.abs _section_cstart, $3  }
0xc7: {  	[dreg:$0x1] =	wrdreg $0xFFFFFFFF  }
0xc8: {  	_ =	task.clear_ibuf [dreg:s9], $0x2FFFF;
	_ =	strace $0x9FFFFFFF  }
0xc9: {  	(tm) =	ssettm $0x7FFFFFFF  }
tec
execute0_lowered:
.L_overlay_start_1:
0x0: {  	(tag) =	ssettag $0x1  }
0x1: {  	s0 =	srdreg.scid;
	s2 =	rddreg [dreg:$0x0]  }
0x2: {  	s5 =	rddreg [dreg:$0x2];
	s1 =	sshll.u32 s0, $0x4  }
0x3: {  	s7 =	simm.s32 $0x1;
	s0 =	stileid.u32;
	s1 =	sand.u32 $0x10, s1  }
0x4: {  	s8 =	simm.s32 $0x3;
	s10 =	simm.s32 $0x4;
	s1 =	sor.u32 s0, s1  }
0x5: {  	s11 =	simm.s32 $0x0;
	s12 =	simm.s32 $0xFFFFF000;
	s3 =	smin.u32 s1, $0x8  }
0x6: {  	p0 =	slt.u32 s1, $0x8;
	s4 =	sadd.s32 s1, s3;
	s1 =	simm.s32 $0x800  }
0x7: {  	s13 =	simm.s32 $0xFFFFFC00;
	s4 =	sshll.u32 s4, $0xA;
	s1 =	simm.s32 @!p0 $0x400  }
0x8: {  	s14 =	simm.s32 $0xFFFFFFFF;
	s3 =	rddreg [dreg:$0x1];
	s6 =	sadd.s32 s1, s4  }
0x9: {  	s18 =	simm.s32 $0x0;
	s1 =	rddreg [dreg:$0x3];
	s6 =	smin.u32 s6, $0xA000  }
.Ltmp0:
0xa: {  	_ =	strace $0x8000004A;
	s9 =	ssub.s32 s6, s4;
	(pc) =	sbr.rel .LBB2_1-.Ltmp0, $4  }
0xb: {  	[sflag:s7] =	ssyncpa.u1 $0x0;
	s7 =	simm.s32 $0x2;
	p0 =	sgt.s32 s9, $0x0  }
0xc: {  	s15 =	simm.s32 $0x0;
	[sflag:s7] =	ssyncpa.u1 $0x0;
	s9 =	simm.s32 @!p0 $0x0  }
0xd: {  	s17 =	simm.s32 $0x0;
	[sflag:s8] =	ssyncpa.u1 $0x0;
	s9 =	sshrl.u32 s9, $0xA  }
0xe: {  	v0 =	vlaneseq.u32;
	vm0 =	vmmov $0xffff;
	s16 =	smov.u32 s4;
	[sflag:s10] =	ssyncpa.u1 $0x0;
	s10 =	sadd.s32 $0x2, s9  }
.LBB2_7:
0xf: {  	p0 =	slt.u32 s17, $0x3  }
0x10: {  	s18 =	simm.s32 @!p0 $0x4  }
0x11: {  	_ =	swait.ge @!p0 [sflag:s18], $0x100  }
0x12: {  	s19 =	sadd.s32 $0x400, s16;
	[sflag:s18] =	ssyncset.done @!p0 $0x0  }
0x13: {  	s20 =	smov.u32 s4;
	[sflag:s18] =	ssyncadd.s32 @!p0 $0xFFFFFF00;
	p0 =	slt.s32 s19, s6  }
0x14: {  	s20 =	smov.u32 @p0 s19;
	p0 =	sne.s32 s17, s10  }
.Ltmp1:
0x15: {  	_ = 	snop;
	(pc) =	sbr.rel @!p0 .LBB2_8-.Ltmp1, $4  }
0x16: {  	_ = 	snop  }
0x17: {  	s31 =	sadd.s32 $0x1, s17;
	s12 =	sadd.s32 $0x1000, s12  }
0x18: {  	s13 =	sadd.s32 $0x400, s13;
	s14 =	sadd.s32 $0x1, s14;
	s18 =	smov.u32 s15  }
0x19: {  	s15 =	smov.u32 s16;
	s17 =	smov.u32 s31;
	s16 =	smov.u32 s20  }
.LBB2_1:
0x1a: {  	p0 =	sge.u32 s17, s9  }
0x1b: {  	s19 =	smulhi.u32 @!p0 $0xAAAAAAAB, s17;
	_ =	sdelay $0x1  }
0x1c: {  	s19 =	sshrl.u32 @!p0 s19, $0x1  }
0x1d: {  	s19 =	smul.u32 @!p0 $0x3, s19;
	_ =	sdelay $0x1  }
0x1e: {  	s31 =	sadd.s32 $0xFFFFFFFF, s17;
	s20 =	sshrl.u32 @!p0 s16, $0x3;
	s19 =	ssub.s32 @!p0 s17, s19  }
0x1f: {  	s21 =	sand.u32 @!p0 $0x7, s16;
	s20 =	sadd.s32 @!p0 s3, s20;
	s19 =	sshll.u32 @!p0 s19, $0xA  }
0x20: {  	[tilespmem:s19], [sflag:$0x2] =	stream.linear.gather @!p0 [hbm4b:s20+s21], $0x400, $0x38;
	[tilespmem:$0x1600] =	vst v63  }
0x21: {  	p0 =	sge.u32 s31, s9  }
.Ltmp2:
0x22: {  	_ = 	snop;
	(pc) =	sbr.rel @p0 .LBB2_5-.Ltmp2, $1  }
0x23: {  	_ =	sdelay $0x3  }
0x24: {  	s19 =	smulhi.u32 $0xAAAAAAAB, s14;
	_ =	sdelay $0x1  }
0x25: {  	s19 =	sshrl.u32 s19, $0x1  }
0x26: {  	s19 =	smul.u32 $0xFFFFD000, s19;
	_ =	sdelay $0x1  }
0x27: {  	_ =	swait.ge [sflag:s7], $0x400;
	s19 =	sshra.s32 s19, $0x2  }
0x28: {  	[sflag:s7] =	ssyncset.done $0x0;
	s21 =	sadd.s32 s19, s13  }
0x29: {  	[sflag:s7] =	ssyncadd.s32 $0xFFFFFC00;
	(ifvalue) =	ssetifvalue $0x7FFFFFFF;
	v1 =	vld.msk [tilespmem:s21+$0x0 ss:$0x1], $0xffff;
	_ =	sdelay $0x2  }
0x2a: {  	s19 =	sadd.s32 $0x10, s21  }
0x2b: {  	s22 =	ssub.s32 $0xA000, s15;
	v3 =	vld.msk [tilespmem:s19+$0x0 ss:$0x1], $0xffff  }
0x2c: {  	p0 =	slt.s32 s22, $0x400;
	vm1 =	veq.s32 v1, $0x80000000;
	v2 =	vand.u32 $0x7, v1;
	v1 =	vshrl.u32 v1, $0x3  }
0x2d: {  	s22 =	simm.s32 @!p0 $0x400;
	v2 =	vsel vm1, $0xFFFFFFFF, v2;
	v1 =	vand.u32 $0x1FFF, v1  }
0x2e: {  	p0 =	sgt.s32 s22, $0x0;
	s20 =	smov.u32 s22;
	v1 =	vsel vm1, $0xFFFFFFFF, v1;
	v4 =	vshrl.u32 v2, $0x3  }
0x2f: {  	s20 =	simm.s32 @!p0 $0x0;
	v6 =	vshll.u32 v2, $0x7;
	v4 =	vmul.u32 $0xA000, v4;
	v5 =	vshll.u32 v1, $0x3  }
0x30: {  	s20 =	smin.u32 s20, $0x10;
	vm1 =	veq.s32 v3, $0x80000000;
	v1 =	vshll.u32 v1, $0x2;
	v5 =	vand.u32 $0xFFFFFC00, v5  }
0x31: {  	v4 =	vadd.s32 v4, v5;
	v5 =	vand.u32 $0x200, v6;
	v6 =	vmov s20  }
0x32: {  	v1 =	vand.u32 $0x1FC, v1;
	v4 =	vor.u32 v5, v4;
	vm2 =	vgt.u32 v6, v0  }
0x33: {  	v1 =	vor.u32 v1, v4;
	v4 =	vand.u32 $0x7, v3;
	v3 =	vshrl.u32 v3, $0x3  }
0x34: {  	s20 =	sadd.s32 $0x10, s19;
	v5 =	vshrl.u32 v1, $0x2;
	v1 =	vsel vm1, $0xFFFFFFFF, v4;
	v3 =	vand.u32 $0x1FFF, v3  }
0x35: {  	s22 =	sadd.s32 $0xFFFFFFF0, s22;
	v4 =	vnsel vm2, $0x7FFFFFFF, v5;
	v5 =	vld.msk [tilespmem:s20+$0x0 ss:$0x1], $0xffff;
	v3 =	vsel vm1, $0xFFFFFFFF, v3;
	v6 =	vshrl.u32 v1, $0x3  }
0x36: {  	p0 =	sgt.s32 s22, $0x0;
	s24 =	smov.u32 s22;
	v6 =	vmul.u32 $0xA000, v6;
	v7 =	vshll.u32 v3, $0x3  }
0x37: {  	s23 =	sshrl.u32 s12, $0x2;
	s24 =	simm.s32 @!p0 $0x0;
	v2 =	vand.u32 $0x3, v2;
	v8 =	vshll.u32 v1, $0x7;
	v7 =	vand.u32 $0xFFFFFC00, v7  }
0x38: {  	s23 =	sand.u32 $0x400, s23;
	s31 =	smin.u32 s24, $0x10;
	[tilespmem:s21+$0x0] =	vst v2;
	v3 =	vshll.u32 v3, $0x2;
	v2 =	vadd.s32 v6, v7;
	v6 =	vand.u32 $0x200, v8  }
0x39: {  	s21 =	sadd.s32 $0xC00, s23;
	v3 =	vand.u32 $0x1FC, v3;
	v7 =	vmov s31;
	v2 =	vor.u32 v6, v2  }
0x3a: {  	s23 =	simm.s32 $0x20;
	s24 =	sadd.s32 $0x10, s20;
	(ifvalue) =	ssetifvalue $0x7FFFFFFF;
	vm1 =	vgt.u32 v7, v0;
	vm2 =	veq.s32 v5, $0x80000000;
	v2 =	vor.u32 v3, v2  }
0x3b: {  	[tilespmem:s21], [sflag:$0x3] =	stream.indirect_vreg.gather [hbm4b:s2+s11], $0x1, v4, vm0, $0x4038;
	v3 =	vand.u32 $0x7, v5;
	v4 =	vshrl.u32 v5, $0x3;
	v2 =	vshrl.u32 v2, $0x2;
	[tilespmem:$0x1600] =	vst v63  }
.LBB2_3:
0x3c: {  	v5 =	vld.msk [tilespmem:s24+$0x0 ss:$0x1], $0xffff;
	v3 =	vsel vm2, $0xFFFFFFFF, v3;
	v4 =	vand.u32 $0x1FFF, v4;
	v2 =	vnsel vm1, $0x7FFFFFFF, v2  }
0x3d: {  	s23 =	sadd.s32 $0x10, s23;
	s22 =	sadd.s32 $0xFFFFFFF0, s22;
	v4 =	vsel vm2, $0xFFFFFFFF, v4;
	v6 =	vshrl.u32 v3, $0x3  }
0x3e: {  	p0 =	slt.u32 s23, $0x3F0;
	p1 =	sgt.s32 s22, $0x0;
	s25 =	smov.u32 s22;
	v6 =	vmul.u32 $0xA000, v6;
	v7 =	vshll.u32 v4, $0x3  }
.Ltmp3:
0x3f: {  	v9 =	vand.u32 $0x3, v1;
	v8 =	vshll.u32 v3, $0x7;
	v1 =	vmovc v3;
	s25 =	simm.s32 @!p1 $0x0;
	v7 =	vand.u32 $0xFFFFFC00, v7;
	(pc) =	sbr.rel @p0 .LBB2_3-.Ltmp3, $4  }
0x40: {  	s21 =	sadd.s32 $0x10, s21;
	v4 =	vshll.u32 v4, $0x2;
	s25 =	smin.u32 s25, $0x10;
	v3 =	vadd.s32 v6, v7;
	v6 =	vand.u32 $0x200, v8;
	[tilespmem:s19+$0x0] =	vst v9;
	(ifvalue) =	ssetifvalue $0x7FFFFFFF  }
0x41: {  	v4 =	vand.u32 $0x1FC, v4;
	v7 =	vmov s25;
	v3 =	vor.u32 v6, v3;
	[tilespmem:s21], [sflag:$0x3] =	stream.indirect_vreg.gather [hbm4b:s2+s11], $0x1, v2, vm0, $0x4038;
	[tilespmem:$0x1600] =	vst v63  }
0x42: {  	s19 =	smov.u32 s20;
	s20 =	smov.u32 s24;
	vm2 =	veq.s32 v5, $0x80000000;
	vm1 =	vgt.u32 v7, v0;
	v2 =	vor.u32 v4, v3  }
0x43: {  	s24 =	sadd.s32 $0x10, s24;
	v3 =	vand.u32 $0x7, v5;
	v4 =	vshrl.u32 v5, $0x3;
	v2 =	vshrl.u32 v2, $0x2  }
0x44: {  	v3 =	vsel vm2, $0xFFFFFFFF, v3;
	v4 =	vand.u32 $0x1FFF, v4  }
0x45: {  	v4 =	vsel vm2, $0xFFFFFFFF, v4;
	v5 =	vshrl.u32 v3, $0x3  }
0x46: {  	s22 =	sadd.s32 $0xFFFFFFF0, s22;
	v5 =	vmul.u32 $0xA000, v5;
	v6 =	vshll.u32 v4, $0x3  }
0x47: {  	p0 =	sgt.s32 s22, $0x0;
	v7 =	vshll.u32 v3, $0x7;
	v6 =	vand.u32 $0xFFFFFC00, v6  }
0x48: {  	s22 =	simm.s32 @!p0 $0x0;
	v62 =	vand.u32 $0x200, v7;
	v4 =	vshll.u32 v4, $0x2;
	v5 =	vadd.s32 v5, v6  }
0x49: {  	s22 =	smin.u32 s22, $0x10;
	v4 =	vand.u32 $0x1FC, v4;
	v5 =	vor.u32 v62, v5  }
0x4a: {  	v2 =	vnsel vm1, $0x7FFFFFFF, v2;
	v63 =	vmov s22;
	v4 =	vor.u32 v4, v5  }
0x4b: {  	vm1 =	vgt.u32 v63, v0;
	v4 =	vshrl.u32 v4, $0x2  }
0x4c: {  	v4 =	vnsel vm1, $0x7FFFFFFF, v4  }
0x4d: {  	v1 =	vand.u32 $0x3, v1  }
0x4e: {  	s31 =	sadd.s32 $0x10, s21;
	[tilespmem:s19+$0x0] =	vst v1;
	(ifvalue) =	ssetifvalue $0x7FFFFFFF  }
0x4f: {  	v1 =	vand.u32 $0x3, v3;
	[tilespmem:s31], [sflag:$0x3] =	stream.indirect_vreg.gather [hbm4b:s2+s11], $0x1, v2, vm0, $0x4038;
	[tilespmem:$0x1600] =	vst v63  }
0x50: {  	s19 =	sadd.s32 $0x10, s31;
	[tilespmem:s20+$0x0] =	vst v1;
	(ifvalue) =	ssetifvalue $0x7FFFFFFF  }
0x51: {  	[tilespmem:s19], [sflag:$0x3] =	stream.indirect_vreg.gather [hbm4b:s2+s11], $0x1, v4, vm0, $0x4038;
	[tilespmem:$0x1600] =	vst v63  }
.LBB2_5:
0x52: {  	p0 =	slt.u32 s17, $0x2  }
0x53: {  	p1 =	sge.u32 @!p0 s17, s10  }
0x54: {  	p0 =	por p0, p1  }
.Ltmp4:
0x55: {  	_ = 	snop;
	(pc) =	sbr.rel @p0 .LBB2_7-.Ltmp4, $1  }
0x56: {  	_ =	sdelay $0x3  }
0x57: {  	s19 =	sadd.s32 $0xFFFFFFFE, s17  }
0x58: {  	s20 =	smulhi.u32 $0xAAAAAAAB, s19  }
0x59: {  	_ =	swait.ge [sflag:s8], $0x400  }
0x5a: {  	s21 =	sand.u32 $0x1, s17;
	[sflag:s8] =	ssyncset.done $0x0;
	s20 =	sshrl.u32 s20, $0x1  }
0x5b: {  	s28 =	sshll.u32 s21, $0xA;
	[sflag:s8] =	ssyncadd.s32 $0xFFFFFC00;
	s20 =	smul.u32 $0x3, s20  }
0x5c: {  	v1 =	vld [tilespmem:s28+$0xC00]  }
0x5d: {  	v3 =	vld [tilespmem:s28+$0xC80];
	s20 =	ssub.s32 s19, s20  }
0x5e: {  	v6 =	vld [tilespmem:s28+$0xD00];
	s20 =	sshll.u32 s20, $0xA  }
0x5f: {  	v2 =	vld [tilespmem:s20+$0x0]  }
0x60: {  	v4 =	vld [tilespmem:s20+$0x80]  }
0x61: {  	v5 =	vld [tilespmem:s20+$0x100]  }
0x62: {  	v7 =	vld [tilespmem:s20+$0x180];
	_ =	sdelay $0x1  }
0x63: {  	v8 =	vld [tilespmem:s28+$0xD80]  }
0x64: {  	v9 =	vld [tilespmem:s28+$0xE00];
	v2 =	vshll.u32 v2, $0x3;
	v4 =	vshll.u32 v4, $0x3  }
0x65: {  	v23 =	vld [tilespmem:s28+$0xE80];
	v1 =	vshrl.u32 v1, v2;
	v2 =	vshrl.u32 v3, v4;
	v3 =	vshll.u32 v5, $0x3  }
0x66: {  	v22 =	vld [tilespmem:s20+$0x200];
	v24 =	vshll.u32 v7, $0x3;
	v2 =	vshll.u32 v2, $0x8;
	v3 =	vshrl.u32 v6, v3  }
0x67: {  	v25 =	vld [tilespmem:s20+$0x280];
	v1 =	vand.u32 $0xFF, v1;
	v2 =	vand.u32 $0xFF00, v2;
	v3 =	vshll.u32 v3, $0x10  }
0x68: {  	v26 =	vld [tilespmem:s20+$0x300];
	v1 =	vor.u32 v1, v2;
	v2 =	vand.u32 $0xFF0000, v3;
	v3 =	vshrl.u32 v8, v24  }
0x69: {  	v1 =	vor.u32 v2, v1;
	v2 =	vshll.u32 v3, $0x18;
	v3 =	vld [tilespmem:s28+$0xF00]  }
0x6a: {  	s21 =	sshll.u32 s21, $0x8;
	v1 =	vor.u32 v2, v1;
	v2 =	vld [tilespmem:s20+$0x380]  }
0x6b: {  	[tilespmem:s21+$0x1400] =	vst v1;
	v1 =	vld [tilespmem:s28+$0xF80]  }
0x6c: {  	v27 =	vld [tilespmem:s28+$0xC10]  }
0x6d: {  	v7 =	vshll.u32 v25, $0x3;
	v4 =	vshll.u32 v22, $0x3;
	v10 =	vld [tilespmem:s20+$0x10]  }
0x6e: {  	v5 =	vshrl.u32 v23, v7;
	v4 =	vshrl.u32 v9, v4;
	v6 =	vshll.u32 v26, $0x3;
	v28 =	vld [tilespmem:s28+$0xC90]  }
0x6f: {  	v5 =	vshll.u32 v5, $0x8;
	v4 =	vand.u32 $0xFF, v4;
	v29 =	vld [tilespmem:s20+$0x90];
	v3 =	vshrl.u32 v3, v6  }
0x70: {  	v5 =	vand.u32 $0xFF00, v5;
	v30 =	vld [tilespmem:s20+$0x110];
	v3 =	vshll.u32 v3, $0x10;
	v2 =	vshll.u32 v2, $0x3  }
0x71: {  	v4 =	vor.u32 v4, v5;
	v31 =	vld [tilespmem:s20+$0x190];
	v3 =	vand.u32 $0xFF0000, v3;
	v1 =	vshrl.u32 v1, v2  }
0x72: {  	v2 =	vld [tilespmem:s28+$0xD10];
	v3 =	vor.u32 v3, v4;
	v1 =	vshll.u32 v1, $0x18  }
0x73: {  	v1 =	vor.u32 v1, v3  }
0x74: {  	v3 =	vld [tilespmem:s28+$0xD90];
	[tilespmem:s21+$0x1480] =	vst v1  }
0x75: {  	v32 =	vshll.u32 v29, $0x3;
	v34 =	vshll.u32 v30, $0x3;
	v33 =	vld [tilespmem:s28+$0xE10]  }
0x76: {  	v4 =	vshll.u32 v31, $0x3;
	v5 =	vshrl.u32 v28, v32;
	v1 =	vshll.u32 v10, $0x3;
	v35 =	vld [tilespmem:s20+$0x210]  }
0x77: {  	v5 =	vshll.u32 v5, $0x8;
	v1 =	vshrl.u32 v27, v1;
	v36 =	vld [tilespmem:s28+$0xE90];
	v2 =	vshrl.u32 v2, v34  }
0x78: {  	v5 =	vand.u32 $0xFF00, v5;
	v37 =	vld [tilespmem:s20+$0x290];
	v1 =	vand.u32 $0xFF, v1;
	v2 =	vshll.u32 v2, $0x10  }
0x79: {  	v38 =	vld [tilespmem:s20+$0x310];
	v1 =	vor.u32 v1, v5;
	v2 =	vand.u32 $0xFF0000, v2;
	v3 =	vshrl.u32 v3, v4  }
0x7a: {  	v1 =	vor.u32 v2, v1;
	v2 =	vshll.u32 v3, $0x18;
	v3 =	vld [tilespmem:s28+$0xF10]  }
0x7b: {  	v1 =	vor.u32 v2, v1;
	v2 =	vld [tilespmem:s20+$0x390]  }
0x7c: {  	[tilespmem:s21+$0x1410] =	vst v1;
	v1 =	vld [tilespmem:s28+$0xF90]  }
0x7d: {  	v39 =	vld [tilespmem:s28+$0xC20]  }
0x7e: {  	v8 =	vshll.u32 v35, $0x3;
	v9 =	vshll.u32 v37, $0x3;
	v40 =	vld [tilespmem:s20+$0x20]  }
0x7f: {  	v4 =	vshll.u32 v38, $0x3;
	v6 =	vshrl.u32 v33, v8;
	v7 =	vshrl.u32 v36, v9;
	v41 =	vld [tilespmem:s28+$0xCA0]  }
0x80: {  	v6 =	vand.u32 $0xFF, v6;
	v7 =	vshll.u32 v7, $0x8;
	v42 =	vld [tilespmem:s20+$0xA0];
	v3 =	vshrl.u32 v3, v4  }
0x81: {  	v43 =	vld [tilespmem:s20+$0x120];
	v7 =	vand.u32 $0xFF00, v7;
	v3 =	vshll.u32 v3, $0x10;
	v2 =	vshll.u32 v2, $0x3  }
0x82: {  	v44 =	vld [tilespmem:s20+$0x1A0];
	v6 =	vor.u32 v6, v7;
	v3 =	vand.u32 $0xFF0000, v3;
	v1 =	vshrl.u32 v1, v2  }
0x83: {  	v2 =	vld [tilespmem:s28+$0xD20];
	v3 =	vor.u32 v3, v6;
	v1 =	vshll.u32 v1, $0x18  }
0x84: {  	v1 =	vor.u32 v1, v3  }
0x85: {  	v3 =	vld [tilespmem:s28+$0xDA0];
	[tilespmem:s21+$0x1490] =	vst v1  }
0x86: {  	v4 =	vshll.u32 v42, $0x3;
	v46 =	vshll.u32 v43, $0x3;
	v45 =	vld [tilespmem:s28+$0xE20]  }
0x87: {  	v6 =	vshll.u32 v44, $0x3;
	v4 =	vshrl.u32 v41, v4;
	v1 =	vshll.u32 v40, $0x3;
	v47 =	vld [tilespmem:s20+$0x220]  }
0x88: {  	v4 =	vshll.u32 v4, $0x8;
	v1 =	vshrl.u32 v39, v1;
	v48 =	vld [tilespmem:s28+$0xEA0];
	v2 =	vshrl.u32 v2, v46  }
0x89: {  	v4 =	vand.u32 $0xFF00, v4;
	v49 =	vld [tilespmem:s20+$0x2A0];
	v1 =	vand.u32 $0xFF, v1;
	v2 =	vshll.u32 v2, $0x10  }
0x8a: {  	v50 =	vld [tilespmem:s20+$0x320];
	v1 =	vor.u32 v1, v4;
	v2 =	vand.u32 $0xFF0000, v2;
	v3 =	vshrl.u32 v3, v6  }
0x8b: {  	v1 =	vor.u32 v2, v1;
	v2 =	vshll.u32 v3, $0x18;
	v3 =	vld [tilespmem:s28+$0xF20]  }
0x8c: {  	v1 =	vor.u32 v2, v1;
	v2 =	vld [tilespmem:s20+$0x3A0]  }
0x8d: {  	[tilespmem:s21+$0x1420] =	vst v1;
	v1 =	vld [tilespmem:s28+$0xFA0]  }
0x8e: {  	v51 =	vld [tilespmem:s28+$0xC30]  }
0x8f: {  	v8 =	vshll.u32 v47, $0x3;
	v9 =	vshll.u32 v49, $0x3;
	v52 =	vld [tilespmem:s20+$0x30]  }
0x90: {  	v4 =	vshll.u32 v50, $0x3;
	v7 =	vshrl.u32 v45, v8;
	v5 =	vshrl.u32 v48, v9;
	v53 =	vld [tilespmem:s28+$0xCB0]  }
0x91: {  	v7 =	vand.u32 $0xFF, v7;
	v5 =	vshll.u32 v5, $0x8;
	v54 =	vld [tilespmem:s20+$0xB0];
	v3 =	vshrl.u32 v3, v4  }
0x92: {  	v55 =	vld [tilespmem:s20+$0x130];
	v5 =	vand.u32 $0xFF00, v5;
	v3 =	vshll.u32 v3, $0x10;
	v2 =	vshll.u32 v2, $0x3  }
0x93: {  	v56 =	vld [tilespmem:s20+$0x1B0];
	v5 =	vor.u32 v7, v5;
	v3 =	vand.u32 $0xFF0000, v3;
	v1 =	vshrl.u32 v1, v2  }
0x94: {  	v2 =	vld [tilespmem:s28+$0xD30];
	v3 =	vor.u32 v3, v5;
	v1 =	vshll.u32 v1, $0x18  }
0x95: {  	v1 =	vor.u32 v1, v3  }
0x96: {  	v3 =	vld [tilespmem:s28+$0xDB0];
	[tilespmem:s21+$0x14A0] =	vst v1  }
0x97: {  	v4 =	vshll.u32 v54, $0x3;
	v58 =	vshll.u32 v55, $0x3;
	v57 =	vld [tilespmem:s28+$0xE30]  }
0x98: {  	v5 =	vshll.u32 v56, $0x3;
	v4 =	vshrl.u32 v53, v4;
	v1 =	vshll.u32 v52, $0x3;
	v59 =	vld [tilespmem:s20+$0x230]  }
0x99: {  	v4 =	vshll.u32 v4, $0x8;
	v1 =	vshrl.u32 v51, v1;
	v60 =	vld [tilespmem:s28+$0xEB0];
	v2 =	vshrl.u32 v2, v58  }
0x9a: {  	v4 =	vand.u32 $0xFF00, v4;
	v61 =	vld [tilespmem:s20+$0x2B0];
	v1 =	vand.u32 $0xFF, v1;
	v2 =	vshll.u32 v2, $0x10  }
0x9b: {  	v62 =	vld [tilespmem:s20+$0x330];
	v1 =	vor.u32 v1, v4;
	v2 =	vand.u32 $0xFF0000, v2;
	v3 =	vshrl.u32 v3, v5  }
0x9c: {  	v1 =	vor.u32 v2, v1;
	v2 =	vshll.u32 v3, $0x18;
	v3 =	vld [tilespmem:s28+$0xF30]  }
0x9d: {  	v1 =	vor.u32 v2, v1;
	v2 =	vld [tilespmem:s20+$0x3B0]  }
0x9e: {  	[tilespmem:s21+$0x1430] =	vst v1;
	v1 =	vld [tilespmem:s28+$0xFB0]  }
0x9f: {  	v63 =	vld [tilespmem:s28+$0xC40]  }
0xa0: {  	v8 =	vshll.u32 v59, $0x3;
	v9 =	vshll.u32 v61, $0x3;
	v12 =	vld [tilespmem:s20+$0x40]  }
0xa1: {  	v4 =	vshll.u32 v62, $0x3;
	v7 =	vshrl.u32 v57, v8;
	v6 =	vshrl.u32 v60, v9;
	v13 =	vld [tilespmem:s28+$0xCC0]  }
0xa2: {  	v7 =	vand.u32 $0xFF, v7;
	v6 =	vshll.u32 v6, $0x8;
	v14 =	vld [tilespmem:s20+$0xC0];
	v3 =	vshrl.u32 v3, v4  }
0xa3: {  	v15 =	vld [tilespmem:s20+$0x140];
	v6 =	vand.u32 $0xFF00, v6;
	v3 =	vshll.u32 v3, $0x10;
	v2 =	vshll.u32 v2, $0x3  }
0xa4: {  	v16 =	vld [tilespmem:s20+$0x1C0];
	v6 =	vor.u32 v7, v6;
	v3 =	vand.u32 $0xFF0000, v3;
	v1 =	vshrl.u32 v1, v2  }
0xa5: {  	v2 =	vld [tilespmem:s28+$0xD40];
	v3 =	vor.u32 v3, v6;
	v1 =	vshll.u32 v1, $0x18  }
0xa6: {  	v1 =	vor.u32 v1, v3  }
0xa7: {  	v3 =	vld [tilespmem:s28+$0xDC0];
	[tilespmem:s21+$0x14B0] =	vst v1  }
0xa8: {  	v4 =	vshll.u32 v14, $0x3;
	v18 =	vshll.u32 v15, $0x3;
	v17 =	vld [tilespmem:s28+$0xE40]  }
0xa9: {  	v6 =	vshll.u32 v16, $0x3;
	v4 =	vshrl.u32 v13, v4;
	v1 =	vshll.u32 v12, $0x3;
	v19 =	vld [tilespmem:s20+$0x240]  }
0xaa: {  	v4 =	vshll.u32 v4, $0x8;
	v1 =	vshrl.u32 v63, v1;
	v20 =	vld [tilespmem:s28+$0xEC0];
	v2 =	vshrl.u32 v2, v18  }
0xab: {  	v4 =	vand.u32 $0xFF00, v4;
	v21 =	vld [tilespmem:s20+$0x2C0];
	v1 =	vand.u32 $0xFF, v1;
	v2 =	vshll.u32 v2, $0x10  }
0xac: {  	v22 =	vld [tilespmem:s20+$0x340];
	v1 =	vor.u32 v1, v4;
	v2 =	vand.u32 $0xFF0000, v2;
	v3 =	vshrl.u32 v3, v6  }
0xad: {  	v1 =	vor.u32 v2, v1;
	v2 =	vshll.u32 v3, $0x18;
	v3 =	vld [tilespmem:s28+$0xF40]  }
0xae: {  	v1 =	vor.u32 v2, v1;
	v2 =	vld [tilespmem:s20+$0x3C0]  }
0xaf: {  	[tilespmem:s21+$0x1440] =	vst v1;
	v1 =	vld [tilespmem:s28+$0xFC0]  }
0xb0: {  	v23 =	vld [tilespmem:s28+$0xC50]  }
0xb1: {  	v8 =	vshll.u32 v19, $0x3;
	v9 =	vshll.u32 v21, $0x3;
	v24 =	vld [tilespmem:s20+$0x50]  }
0xb2: {  	v4 =	vshll.u32 v22, $0x3;
	v7 =	vshrl.u32 v17, v8;
	v5 =	vshrl.u32 v20, v9;
	v25 =	vld [tilespmem:s28+$0xCD0]  }
0xb3: {  	v7 =	vand.u32 $0xFF, v7;
	v5 =	vshll.u32 v5, $0x8;
	v26 =	vld [tilespmem:s20+$0xD0];
	v3 =	vshrl.u32 v3, v4  }
0xb4: {  	v27 =	vld [tilespmem:s20+$0x150];
	v5 =	vand.u32 $0xFF00, v5;
	v3 =	vshll.u32 v3, $0x10;
	v2 =	vshll.u32 v2, $0x3  }
0xb5: {  	v28 =	vld [tilespmem:s20+$0x1D0];
	v5 =	vor.u32 v7, v5;
	v3 =	vand.u32 $0xFF0000, v3;
	v1 =	vshrl.u32 v1, v2  }
0xb6: {  	v2 =	vld [tilespmem:s28+$0xD50];
	v3 =	vor.u32 v3, v5;
	v1 =	vshll.u32 v1, $0x18  }
0xb7: {  	v1 =	vor.u32 v1, v3  }
0xb8: {  	v3 =	vld [tilespmem:s28+$0xDD0];
	[tilespmem:s21+$0x14C0] =	vst v1  }
0xb9: {  	v4 =	vshll.u32 v26, $0x3;
	v30 =	vshll.u32 v27, $0x3;
	v29 =	vld [tilespmem:s28+$0xE50]  }
0xba: {  	v5 =	vshll.u32 v28, $0x3;
	v4 =	vshrl.u32 v25, v4;
	v1 =	vshll.u32 v24, $0x3;
	v31 =	vld [tilespmem:s20+$0x250]  }
0xbb: {  	v4 =	vshll.u32 v4, $0x8;
	v1 =	vshrl.u32 v23, v1;
	v32 =	vld [tilespmem:s28+$0xED0];
	v2 =	vshrl.u32 v2, v30  }
0xbc: {  	v4 =	vand.u32 $0xFF00, v4;
	v33 =	vld [tilespmem:s20+$0x2D0];
	v1 =	vand.u32 $0xFF, v1;
	v2 =	vshll.u32 v2, $0x10  }
0xbd: {  	v34 =	vld [tilespmem:s20+$0x350];
	v1 =	vor.u32 v1, v4;
	v2 =	vand.u32 $0xFF0000, v2;
	v3 =	vshrl.u32 v3, v5  }
0xbe: {  	v1 =	vor.u32 v2, v1;
	v2 =	vshll.u32 v3, $0x18;
	v3 =	vld [tilespmem:s28+$0xF50]  }
0xbf: {  	v1 =	vor.u32 v2, v1;
	v2 =	vld [tilespmem:s20+$0x3D0]  }
0xc0: {  	[tilespmem:s21+$0x1450] =	vst v1;
	v1 =	vld [tilespmem:s28+$0xFD0]  }
0xc1: {  	v35 =	vld [tilespmem:s28+$0xC60]  }
0xc2: {  	v8 =	vshll.u32 v31, $0x3;
	v9 =	vshll.u32 v33, $0x3;
	v36 =	vld [tilespmem:s20+$0x60]  }
0xc3: {  	v4 =	vshll.u32 v34, $0x3;
	v7 =	vshrl.u32 v29, v8;
	v6 =	vshrl.u32 v32, v9;
	v37 =	vld [tilespmem:s28+$0xCE0]  }
0xc4: {  	v7 =	vand.u32 $0xFF, v7;
	v6 =	vshll.u32 v6, $0x8;
	v38 =	vld [tilespmem:s20+$0xE0];
	v3 =	vshrl.u32 v3, v4  }
0xc5: {  	v39 =	vld [tilespmem:s20+$0x160];
	v6 =	vand.u32 $0xFF00, v6;
	v3 =	vshll.u32 v3, $0x10;
	v2 =	vshll.u32 v2, $0x3  }
0xc6: {  	v40 =	vld [tilespmem:s20+$0x1E0];
	v6 =	vor.u32 v7, v6;
	v3 =	vand.u32 $0xFF0000, v3;
	v1 =	vshrl.u32 v1, v2  }
0xc7: {  	v2 =	vld [tilespmem:s28+$0xD60];
	v3 =	vor.u32 v3, v6;
	v1 =	vshll.u32 v1, $0x18  }
0xc8: {  	v1 =	vor.u32 v1, v3  }
0xc9: {  	v3 =	vld [tilespmem:s28+$0xDE0];
	[tilespmem:s21+$0x14D0] =	vst v1  }
0xca: {  	v4 =	vshll.u32 v38, $0x3;
	v42 =	vshll.u32 v39, $0x3;
	v41 =	vld [tilespmem:s28+$0xE60]  }
0xcb: {  	v6 =	vshll.u32 v40, $0x3;
	v4 =	vshrl.u32 v37, v4;
	v1 =	vshll.u32 v36, $0x3;
	v43 =	vld [tilespmem:s20+$0x260]  }
0xcc: {  	v4 =	vshll.u32 v4, $0x8;
	v1 =	vshrl.u32 v35, v1;
	v44 =	vld [tilespmem:s28+$0xEE0];
	v2 =	vshrl.u32 v2, v42  }
0xcd: {  	v4 =	vand.u32 $0xFF00, v4;
	v45 =	vld [tilespmem:s20+$0x2E0];
	v1 =	vand.u32 $0xFF, v1;
	v2 =	vshll.u32 v2, $0x10  }
0xce: {  	v46 =	vld [tilespmem:s20+$0x360];
	v1 =	vor.u32 v1, v4;
	v2 =	vand.u32 $0xFF0000, v2;
	v3 =	vshrl.u32 v3, v6  }
0xcf: {  	v1 =	vor.u32 v2, v1;
	v2 =	vshll.u32 v3, $0x18;
	v3 =	vld [tilespmem:s28+$0xF60]  }
0xd0: {  	v1 =	vor.u32 v2, v1;
	v2 =	vld [tilespmem:s20+$0x3E0]  }
0xd1: {  	[tilespmem:s21+$0x1460] =	vst v1;
	v1 =	vld [tilespmem:s28+$0xFE0]  }
0xd2: {  	v8 =	vshll.u32 v43, $0x3;
	v9 =	vshll.u32 v45, $0x3;
	v47 =	vld [tilespmem:s28+$0xC70]  }
0xd3: {  	v4 =	vshll.u32 v46, $0x3;
	v7 =	vshrl.u32 v41, v8;
	v5 =	vshrl.u32 v44, v9;
	v48 =	vld [tilespmem:s20+$0x70]  }
0xd4: {  	v49 =	vld [tilespmem:s28+$0xCF0];
	v7 =	vand.u32 $0xFF, v7;
	v5 =	vshll.u32 v5, $0x8;
	v3 =	vshrl.u32 v3, v4  }
0xd5: {  	v50 =	vld [tilespmem:s20+$0xF0];
	v5 =	vand.u32 $0xFF00, v5;
	v3 =	vshll.u32 v3, $0x10;
	v2 =	vshll.u32 v2, $0x3  }
0xd6: {  	v51 =	vld [tilespmem:s28+$0xD70];
	v5 =	vor.u32 v7, v5;
	v3 =	vand.u32 $0xFF0000, v3;
	v1 =	vshrl.u32 v1, v2  }
0xd7: {  	v52 =	vld [tilespmem:s28+$0xDF0];
	v3 =	vor.u32 v3, v5;
	v1 =	vshll.u32 v1, $0x18  }
0xd8: {  	v2 =	vld [tilespmem:s20+$0x170];
	v1 =	vor.u32 v1, v3  }
0xd9: {  	v3 =	vld [tilespmem:s20+$0x1F0];
	[tilespmem:s21+$0x14E0] =	vst v1  }
0xda: {  	v1 =	vld [tilespmem:s28+$0xE70]  }
0xdb: {  	v53 =	vld [tilespmem:s20+$0x270]  }
0xdc: {  	v11 =	vld [tilespmem:s20+$0x2F0]  }
0xdd: {  	v4 =	vshll.u32 v50, $0x3;
	v54 =	vld [tilespmem:s28+$0xEF0]  }
0xde: {  	v10 =	vshll.u32 v48, $0x3;
	v4 =	vshrl.u32 v49, v4;
	v55 =	vld [tilespmem:s20+$0x370];
	v2 =	vshll.u32 v2, $0x3  }
0xdf: {  	v6 =	vshrl.u32 v47, v10;
	v4 =	vshll.u32 v4, $0x8;
	v57 =	vld [tilespmem:s20+$0x3F0];
	v2 =	vshrl.u32 v51, v2  }
0xe0: {  	v6 =	vand.u32 $0xFF, v6;
	v4 =	vand.u32 $0xFF00, v4;
	v56 =	vld [tilespmem:s28+$0xF70];
	v2 =	vshll.u32 v2, $0x10  }
0xe1: {  	v4 =	vor.u32 v6, v4;
	v3 =	vshll.u32 v3, $0x3;
	v2 =	vand.u32 $0xFF0000, v2  }
0xe2: {  	v59 =	vld [tilespmem:s28+$0xFF0];
	v3 =	vshrl.u32 v52, v3;
	v2 =	vor.u32 v2, v4  }
0xe3: {  	v58 =	vshll.u32 v11, $0x3;
	v60 =	vshll.u32 v53, $0x3;
	v61 =	vshll.u32 v55, $0x3  }
0xe4: {  	v63 =	vshll.u32 v57, $0x3;
	v3 =	vshll.u32 v3, $0x18;
	v4 =	vshrl.u32 v54, v58  }
0xe5: {  	v1 =	vshrl.u32 v1, v60;
	v5 =	vshrl.u32 v56, v61;
	v4 =	vshll.u32 v4, $0x8  }
0xe6: {  	v1 =	vand.u32 $0xFF, v1;
	v62 =	vshll.u32 v5, $0x10;
	v4 =	vand.u32 $0xFF00, v4  }
.Ltmp5:
0xe7: {  	v5 =	vshrl.u32 v59, v63;
	v1 =	vor.u32 v1, v4;
	v4 =	vand.u32 $0xFF0000, v62;
	(pc) =	sbr.rel .LBB2_7-.Ltmp5, $4  }
0xe8: {  	v2 =	vor.u32 v3, v2;
	v3 =	vshll.u32 v5, $0x18;
	v1 =	vor.u32 v4, v1  }
0xe9: {  	s29 =	sshrl.u32 s18, $0x2;
	s30 =	sshrl.u32 s18, $0x5;
	[tilespmem:s21+$0x1470] =	vst v2;
	v1 =	vor.u32 v3, v1  }
0xea: {  	s18 =	sadd.s32 s30, s5;
	s31 =	sor.u32 $0x1400, s21;
	s19 =	sand.u32 $0x7, s29;
	[tilespmem:s21+$0x14F0] =	vst v1  }
0xeb: {  	[hbm4b:s18+s19] =	stream.linear.scatter [tilespmem:s31], [sflag:$0x4], $0x100, $0x38;
	[tilespmem:$0x1600] =	vst v63  }
.LBB2_8:
0xec: {  	_ =	sfence.sel $0x180000  }
0xed: {  	s2 =	simm.s32 $0x2;
	[bflag:$0x0] =	sbarrier.arrive $0xFFFF  }
0xee: {  	s29 =	simm.s32 $0x3;
	[sflag:s2] =	ssyncpa.u1 $0x1  }
0xef: {  	s30 =	simm.s32 $0x4;
	[sflag:s29] =	ssyncpa.u1 $0x1  }
0xf0: {  	s31 =	simm.s32 $0x1;
	[sflag:s30] =	ssyncpa.u1 $0x1  }
0xf1: {  	[sflag:s31] =	ssyncpa.u1 $0x1  }
0xf2: {  	p0 =	sne.s32 s0, $0x0;
	_ =	strace $0x9000004A  }
0xf3: {  	s0 =	sadd.s32 @!p0 $0x100000, s1;
	[bflag:$0x2] =	sbarrier.arrive $0xFFFF  }
0xf4: {  	[sflag:s0] =	ssyncadd.tile.s32 @!p0 $0x1;
	_ =	shalt  }
.Lfunc_end2:
_tile_overlayer_lowered:
.L_overlay_start_2:
0xf5: {  	(tag) =	ssettag $0x2  }
0xf6: {  	s0 =	rddreg [dreg:$0x0];
	s2 =	stileid.u32  }
0xf7: {  	s1 =	rddreg [dreg:$0x1];
	p0 =	sne.s32 s2, $0x0  }
0xf8: {  	s3 =	rddreg [dreg:$0x2];
	[bflag:$0x3] =	sbarrier.arrive $0xFFFF;
	s2 =	simm.s32 @!p0 $0x1C01  }
0xf9: {  	[timem:s3], [sflag:s2] =	dma.local @!p0 [hbm:s0], s1  }
0xfa: {  	s0 =	simm.s32 @!p0 $0x1  }
0xfb: {  	_ =	swait.ge @!p0 [sflag:s0], s1  }
0xfc: {  	s1 =	ssub.s32 @!p0 $0x0, s1;
	[sflag:s0] =	ssyncset.done @!p0 $0x0  }
0xfd: {  	[sflag:s0] =	ssyncadd.s32 @!p0 s1  }
0xfe: {  	[bflag:$0x3] =	sbarrier.arrive $0xFFFF  }
0xff: {  	_ =	shalt  }

// kernel: gather_offload_async_start
scs
__scs_entry_jumppad:
0x0: {  	(pc) =	sbr.rel $0x88, $3  }
0x1: {  	(tag) =	ssettag $0x0;
	lr =	simm.s32 $0x1  }
0x2: {  	[smem:$0x3F9E] =	sst lr;
	_ =	strace $0xD0000000  }
0x3: {  	_ = 	snop  }
0x4: {  	_ = 	snop  }
0x5: {  	_ = 	snop  }
0x6: {  	_ = 	snop  }
0x7: {  	_ = 	snop  }
__scs_overlays_trampoline_lowered:
0x8: {  	[smem:$0x3FAD] =	sst s0  }
0x9: {  	[smem:$0x3FAE] =	sst s1  }
0xa: {  	[smem:$0x3FAF] =	sst s2  }
0xb: {  	[smem:$0x3FB0] =	sst s3  }
0xc: {  	[smem:$0x3FB1] =	sst s4  }
0xd: {  	[smem:$0x3FB2] =	sst s5  }
0xe: {  	[smem:$0x3FB3] =	sst s6  }
0xf: {  	[smem:$0x3FB4] =	sst s7  }
0x10: {  	[smem:$0x3FB5] =	sst s8  }
0x11: {  	[smem:$0x3FB6] =	sst s9;
	s0 =	simm.s32 @!p0 $0x0  }
0x12: {  	s1 =	sld [smem:$0x3F9C];
	s0 =	simm.s32 @p0 $0x1  }
0x13: {  	[smem:$0x3FB7] =	sst s0;
	s0 =	simm.s32 @!p1 $0x0  }
0x14: {  	s2 =	sld [smem:$0x3F9B];
	s0 =	simm.s32 @p1 $0x1  }
0x15: {  	[smem:$0x3FB8] =	sst s0;
	s0 =	simm.s32 @!p2 $0x0  }
0x16: {  	s3 =	sld [smem:$0x3FDB];
	s0 =	simm.s32 @p2 $0x1  }
0x17: {  	s4 =	simm.s32 $0x1BF5;
	[smem:$0x3FBA] =	sst s0  }
0x18: {  	s0 =	sld [smem:$0x3F9D];
	_ =	swait.ge [sflag:s4], $0x0  }
0x19: {  	s7 =	sld [smem:$0x3F9E]  }
0x1a: {  	s8 =	sadd.s32 $0xFFFFE003, lr  }
0x1b: {  	s9 =	sadd.s32 $0xFFFFFEF7, lr;
	s5 =	simm.s32 $0xFFFFFFFF;
	p2 =	slt.u32 s8, $0xFFFFF086  }
0x1c: {  	p1 =	slt.u32 s9, $0xF7A;
	s5 =	simm.s32 @!p2 $0x0  }
0x1d: {  	s5 =	simm.s32 @p1 $0x1;
	p0 =	seq.s32 s7, s2  }
0x1e: {  	s7 =	smul.u32 @!p0 $0xF7A, s2;
	p2 =	seq.s32 @!p0 s5, $0x0  }
0x1f: {  	s9 =	smul.u32 $0xF7A, s1;
	s8 =	simm.s32 @!p0 $0x1BF5;
	p2 =	por !p2, p0  }
0x20: {  	[sflag:s8] =	ssyncset.s32 @!p0 $0xFFFFF086;
	s6 =	sadd.s32 @!p0 s3, s7;
	s7 =	simm.s32 @!p0 $0x108  }
0x21: {  	s3 =	sadd.s32 s3, s9;
	s6 =	sadd.s32 @!p0 $0x88, s6;
	s7 =	simm.s32 @p2 $0x1082  }
0x22: {  	[simem:s7], [sflag:s8] =	dma.local @!p0 [hbm:s6], $0xF7A  }
0x23: {  	s9 =	sor.u32 $0xD0000000, s2;
	s6 =	simm.s32 $0x108;
	_ =	swait.ge @!p0 [sflag:s8], $0x0  }
0x24: {  	s3 =	sadd.s32 $0x88, s3;
	s6 =	simm.s32 @!p1 $0x1082;
	[sflag:s4] =	ssyncset.s32 $0xFFFFF086  }
0x25: {  	[simem:s6], [sflag:s4] =	dma.local [hbm:s3], $0xF7A  }
0x26: {  	[smem:$0x3F9E] =	sst s1;
	(tag) =	ssettag s2;
	_ =	strace s9  }
0x27: {  	s1 =	sld [smem:$0x3FAE]  }
0x28: {  	s2 =	sld [smem:$0x3FAF]  }
0x29: {  	s4 =	sld [smem:$0x3FB1]  }
0x2a: {  	p0 =	seq.s32 s5, $0x0;
	s5 =	sld [smem:$0x3FB2]  }
0x2b: {  	s6 =	sld [smem:$0x3FB3]  }
0x2c: {  	s7 =	sld [smem:$0x3FB4]  }
0x2d: {  	s3 =	simm.s32 $0x108;
	s8 =	sld [smem:$0x3FB5]  }
0x2e: {  	s3 =	simm.s32 @!p0 $0x1082;
	s9 =	sld [smem:$0x3FB6]  }
0x2f: {  	lr =	sadd.s32 s0, s3;
	s0 =	sld [smem:$0x3FAD]  }
0x30: {  	s3 =	sld [smem:$0x3FB0]  }
0x31: {  	[smem:$0x3FB9] =	sst s10  }
0x32: {  	s10 =	sld [smem:$0x3FB7];
	_ =	sdelay $0x3  }
0x33: {  	p0 =	seq.s32 s10, $0x1;
	s10 =	sld [smem:$0x3FB9];
	_ =	sdelay $0x3  }
0x34: {  	[smem:$0x3FB9] =	sst s10  }
0x35: {  	s10 =	sld [smem:$0x3FB8];
	_ =	sdelay $0x3  }
0x36: {  	p1 =	seq.s32 s10, $0x1;
	s10 =	sld [smem:$0x3FB9];
	_ =	sdelay $0x3  }
0x37: {  	[smem:$0x3FB9] =	sst s10  }
0x38: {  	s10 =	sld [smem:$0x3FBA]  }
0x39: {  	_ = 	snop;
	(pc) =	sbr.ind lr, $3  }
0x3a: {  	_ = 	snop  }
0x3b: {  	_ = 	snop  }
0x3c: {  	p2 =	seq.s32 s10, $0x1;
	s10 =	sld [smem:$0x3FB9]  }
0x3d: {  	_ =	shalt  }
0x3e: {  	_ =	shalt  }
0x3f: {  	_ =	shalt  }
0x40: {  	_ =	shalt  }
0x41: {  	_ =	shalt  }
0x42: {  	_ =	shalt  }
0x43: {  	_ =	shalt  }
0x44: {  	_ =	shalt  }
0x45: {  	_ =	shalt  }
0x46: {  	_ =	shalt  }
0x47: {  	_ =	shalt  }
0x48: {  	_ =	shalt  }
0x49: {  	_ =	shalt  }
0x4a: {  	_ =	shalt  }
0x4b: {  	_ =	shalt  }
0x4c: {  	_ =	shalt  }
0x4d: {  	_ =	shalt  }
0x4e: {  	_ =	shalt  }
0x4f: {  	_ =	shalt  }
0x50: {  	_ =	shalt  }
0x51: {  	_ =	shalt  }
0x52: {  	_ =	shalt  }
0x53: {  	_ =	shalt  }
0x54: {  	_ =	shalt  }
0x55: {  	_ =	shalt  }
0x56: {  	_ =	shalt  }
0x57: {  	_ =	shalt  }
0x58: {  	_ =	shalt  }
0x59: {  	_ =	shalt  }
0x5a: {  	_ =	shalt  }
0x5b: {  	_ =	shalt  }
0x5c: {  	_ =	shalt  }
0x5d: {  	_ =	shalt  }
0x5e: {  	_ =	shalt  }
0x5f: {  	_ =	shalt  }
0x60: {  	_ =	shalt  }
0x61: {  	_ =	shalt  }
0x62: {  	_ =	shalt  }
0x63: {  	_ =	shalt  }
0x64: {  	_ =	shalt  }
0x65: {  	_ =	shalt  }
0x66: {  	_ =	shalt  }
0x67: {  	_ =	shalt  }
0x68: {  	_ =	shalt  }
0x69: {  	_ =	shalt  }
0x6a: {  	_ =	shalt  }
0x6b: {  	_ =	shalt  }
0x6c: {  	_ =	shalt  }
0x6d: {  	_ =	shalt  }
0x6e: {  	_ =	shalt  }
0x6f: {  	_ =	shalt  }
0x70: {  	_ =	shalt  }
0x71: {  	_ =	shalt  }
0x72: {  	_ =	shalt  }
0x73: {  	_ =	shalt  }
0x74: {  	_ =	shalt  }
0x75: {  	_ =	shalt  }
0x76: {  	_ =	shalt  }
0x77: {  	_ =	shalt  }
0x78: {  	_ =	shalt  }
0x79: {  	_ =	shalt  }
0x7a: {  	_ =	shalt  }
0x7b: {  	_ =	shalt  }
0x7c: {  	_ =	shalt  }
0x7d: {  	_ =	shalt  }
0x7e: {  	_ =	shalt  }
0x7f: {  	_ =	shalt  }
0x80: {  	_ =	shalt  }
0x81: {  	_ =	shalt  }
0x82: {  	_ =	shalt  }
0x83: {  	_ =	shalt  }
0x84: {  	_ =	shalt  }
0x85: {  	_ =	shalt  }
0x86: {  	_ =	shalt  }
0x87: {  	_ =	shalt  }
.Lfunc_end0:
.L_simem_size_0:
called_computation_lowered:
.L_overlay_start_0:
0x88: {  	s2 =	sld [smem:$0x3FD9]  }
0x89: {  	s3 =	sld [smem:$0x3FFE];
	_ =	sdelay $0x1  }
0x8a: {  	s1 =	srdreg.scid  }
0x8b: {  	s0 =	sand.u32 $0x1, s1  }
0x8c: {  	s14 =	sshll.u32 s0, $0xA;
	s2 =	sadd.s32 s3, s2  }
0x8d: {  	s2 =	sadd.s32 s2, s14  }
0x8e: {  	[smem:$0x3FC5] =	sst s2  }
0x8f: {  	_ = 	snop  }
0x90: {  	s2 =	sld [smem:$0x3FD0];
	_ =	sdelay $0x2  }
0x91: {  	s15 =	simm.s32 $0xA;
	s4 =	simm.s32 $0x10  }
0x92: {  	[smem:s4], [sflag:s15] =	dma.local [hbm:s2], $0x1  }
0x93: {  	_ =	swait.eq [sflag:s15], $0x1  }
0x94: {  	[sflag:s15] =	ssyncset.done $0x0  }
0x95: {  	[sflag:s15] =	ssyncadd.s32 $0xFFFFFFFF  }
0x96: {  	s16 =	sld [smem:$0x11];
	(tm) =	ssettm $0x1  }
0x97: {  	s17 =	sld [smem:$0x3FFB];
	_ =	sdelay $0x3  }
0x98: {  	_ =	strace s17  }
0x99: {  	s3 =	sld [smem:$0x3FFC];
	_ =	sdelay $0x3  }
0x9a: {  	_ =	strace s3  }
0x9b: {  	s3 =	sld [smem:$0x3FFD];
	_ =	sdelay $0x3  }
0x9c: {  	_ =	strace s3  }
0x9d: {  	_ =	strace $0x8FFFFFFF  }
0x9e: {  	s18 =	sld [smem:$0x3FDB];
	_ =	sdelay $0x1  }
0x9f: {  	s19 =	simm.s32 $_scs_section_size  }
0xa0: {  	s5 =	simm.s32 $_size__tile_overlayer_lowered;
	s6 =	simm.s32 $_tile_overlayer_lowered  }
0xa1: {  	s22 =	simm.s32 $0x1BFF;
	s21 =	sshll.u32 s6, $0x1;
	s3 =	sadd.s32 s19, s18  }
0xa2: {  	s7 =	simm.s32 $0x0;
	s20 =	sshll.u32 s5, $0x1;
	s5 =	sadd.s32 s21, s3  }
0xa3: {  	[timem:s7], [sflag:s22] =	dma.local [hbm:s5], s20  }
0xa4: {  	_ =	swait.ge [sflag:s22], s20  }
0xa5: {  	s4 =	ssub.s32 $0x0, s20;
	[sflag:s22] =	ssyncset.done $0x0  }
0xa6: {  	[sflag:s22] =	ssyncadd.s32 s4;
	_ =	sdelay $0x1  }
0xa7: {  	s23 =	simm.s32 $0x1B8B  }
0xa8: {  	_ =	swait.ge [sflag:s23], $0x1  }
0xa9: {  	[sflag:s23] =	ssyncset.done $0x0  }
0xaa: {  	s25 =	simm.s32 $0x1B8E;
	s24 =	sld [smem:$0x3FFE];
	[sflag:s23] =	ssyncadd.s32 $0xFFFFFFFF  }
0xab: {  	s26 =	simm.s32 $execute0_lowered;
	[smem:$0x3FD2] =	sst s25  }
0xac: {  	s5 =	sshll.u32 s26, $0x1;
	_ =	strace $0x80000046;
	[dreg:$0x1] =	wrdreg $0xFFFFFFFF  }
0xad: {  	s28 =	simm.s32 $_size_execute0_lowered;
	s3 =	sadd.s32 s3, s5;
	[dreg:$0x0] =	wrdreg $0x0  }
0xae: {  	s5 =	sshll.u32 s28, $0x1;
	[dreg:$0x2] =	wrdreg s3  }
0xaf: {  	[dreg:$0x3] =	wrdreg s5  }
0xb0: {  	[dreg:$0x4] =	wrdreg $0xC0  }
0xb1: {  	_ =	task [dreg:s7], $0x5FFFF  }
0xb2: {  	[dreg:$0x1] =	wrdreg $0xFFFFFFFF  }
0xb3: {  	[dreg:$0x0] =	wrdreg $0x60  }
0xb4: {  	[dreg:$0x2] =	wrdreg s24  }
0xb5: {  	[dreg:$0x3] =	wrdreg s16  }
0xb6: {  	[dreg:$0x4] =	wrdreg $0x9  }
0xb7: {  	_ =	task.clear_ibuf [dreg:s7], $0x5FFFF;
	_ =	strace $0x90000046  }
0xb8: {  	s29 =	simm.s32 $0x9;
	_ =	strace $0x80000048  }
0xb9: {  	_ =	swait.ge [sflag:s29], $0x1  }
0xba: {  	[sflag:s29] =	ssyncadd.s32 $0xFFFFFFFF  }
0xbb: {  	_ =	strace $0x90000048  }
0xbc: {  	_ =	sfence  }
0xbd: {  	s30 =	sld [smem:$0x0];
	_ =	sdelay $0x2  }
0xbe: {  	s31 =	sshll.u32 s1, $0xD;
	s1 =	sshrl.u32 s1, $0x2  }
0xbf: {  	s3 =	sand.u32 $0x4000, s31;
	s1 =	sadd.s32 s1, s30  }
0xc0: {  	s0 =	sor.u32 s3, s0;
	s1 =	sshll.u32 s1, $0x11  }
0xc1: {  	s0 =	sor.u32 s1, s0  }
0xc2: {  	s0 =	sadd.s32 $0x8F2B, s0  }
0xc3: {  	[sflag:s0] =	ssyncadd.remote.s32 $0x1  }
0xc4: {  	_ =	sfence.sel $0xFFFF  }
0xc5: {  	[dreg:$0x0] =	wrdreg $0xFFFFFFFF;
	(pc) =	sbr.abs _section_cstart, $3  }
0xc6: {  	[dreg:$0x1] =	wrdreg $0xFFFFFFFF  }
0xc7: {  	_ =	task.clear_ibuf [dreg:s7], $0x2FFFF;
	_ =	strace $0x9FFFFFFF  }
0xc8: {  	(tm) =	ssettm $0x7FFFFFFF  }
0xc9: {  	_ =	shalt  }
tec
execute0_lowered:
.L_overlay_start_1:
0x0: {  	(tag) =	ssettag $0x1  }
0x1: {  	s2 =	rddreg [dreg:$0x0];
	s0 =	srdreg.scid  }
0x2: {  	s3 =	rddreg [dreg:$0x1];
	s1 =	stileid.u32;
	s6 =	simm.s32 $0x2  }
0x3: {  	s4 =	sshll.u32 s0, $0x4;
	s0 =	rddreg [dreg:$0x2];
	_ =	strace $0x80000047  }
.Ltmp0:
0x4: {  	s5 =	sand.u32 $0x10, s4;
	s4 =	simm.s32 $0x1;
	(pc) =	sbr.rel .LBB2_1-.Ltmp0, $4  }
0x5: {  	s9 =	simm.s32 $0x3;
	s5 =	sor.u32 s1, s5;
	[sflag:s4] =	ssyncpa.u1 $0x0  }
0x6: {  	s11 =	simm.s32 $0x0;
	s5 =	smul.u32 $0x500, s5;
	[sflag:s6] =	ssyncpa.u1 $0x0  }
0x7: {  	p0 =	por $0x0, $0x0;
	s7 =	sadd.s32 $0xA0000, s2;
	[sflag:s9] =	ssyncpa.u1 $0x0  }
0x8: {  	vm0 =	vmmov $0xff;
	vm1 =	vcmask $0x3F20;
	s9 =	simm.s32 $0x0;
	s8 =	sadd.s32 $0x500, s5;
	s10 =	smov.u32 s5  }
.LBB2_6:
0x9: {  	[hbm:s15] =	stream.linear.scatter [tilespmem:s12], [sflag:$0x3], $0x400, $0x38;
	[tilespmem:$0x10200] =	vst v63  }
.LBB2_7:
0xa: {  	p1 =	slt.u32 s9, $0x2;
	s11 =	sadd.s32 $0x100, s10  }
0xb: {  	s13 =	smov.u32 s5;
	s9 =	sadd.s32 $0x1, s9;
	p2 =	slt.s32 s11, s8  }
0xc: {  	s13 =	smov.u32 @p2 s11;
	p2 =	sne.s32 s9, $0x7  }
.Ltmp1:
0xd: {  	_ = 	snop;
	(pc) =	sbr.rel @!p2 .LBB2_8-.Ltmp1, $4  }
0xe: {  	s12 =	simm.s32 @!p1 $0x3  }
0xf: {  	_ =	swait.ge @!p1 [sflag:s12], $0x8000  }
0x10: {  	p0 =	por !p0, !p0;
	[sflag:s12] =	ssyncset.done @!p1 $0x0  }
0x11: {  	s11 =	smov.u32 s10;
	s10 =	smov.u32 s13;
	[sflag:s12] =	ssyncadd.s32 @!p1 $0xFFFF8000  }
.LBB2_1:
0x12: {  	p1 =	sgt.u32 s9, $0x4  }
0x13: {  	s12 =	sxor.u32 @!p1 $0xFFFFFFFF, s9  }
0x14: {  	s31 =	sadd.s32 $0xFFFFFFFF, s9;
	s13 =	sshrl.u32 @!p1 s10, $0x3;
	s12 =	sshll.u32 @!p1 s12, $0x8  }
0x15: {  	s14 =	sand.u32 @!p1 $0x7, s10;
	s13 =	sadd.s32 @!p1 s3, s13;
	s12 =	sand.u32 @!p1 $0x100, s12  }
0x16: {  	[tilespmem:s12], [sflag:$0x2] =	stream.linear.gather @!p1 [hbm4b:s13+s14], $0x100, $0x38;
	[tilespmem:$0x10200] =	vst v63  }
0x17: {  	p1 =	sgt.u32 s31, $0x4  }
.Ltmp2:
0x18: {  	_ = 	snop;
	(pc) =	sbr.rel @p1 .LBB2_7-.Ltmp2, $1  }
0x19: {  	_ =	sdelay $0x3  }
0x1a: {  	s12 =	simm.s32 $0x1  }
0x1b: {  	_ =	swait.ge [sflag:s6], $0x100;
	s12 =	simm.s32 @!p0 $0x0  }
0x1c: {  	[sflag:s6] =	ssyncset.done $0x0;
	s14 =	sshll.u32 s12, $0x8  }
0x1d: {  	[sflag:s6] =	ssyncadd.s32 $0xFFFFFF00;
	s13 =	sadd.s32 $0x0, s14  }
0x1e: {  	v0 =	vld.msk [tilespmem:s13+$0x0 ss:$0x1], $0xffff;
	_ =	sdelay $0x4  }
0x1f: {  	v1 =	vand.u32 $0x7, v0;
	v2 =	vshll.u32 v0, $0x4  }
0x20: {  	vm2 =	veq.s32 v0, $0x80000000;
	v0 =	vmul.u32 $0xA0000, v1;
	v1 =	vand.u32 $0xFFF80, v2  }
0x21: {  	v1 =	vsel vm2, $0xFFFFFF80, v1  }
0x22: {  	v0 =	vsel vm2, $0xFFF60000, v0;
	v2 =	vand.u32 $0xFFFFFC00, v1  }
0x23: {  	v1 =	vand.u32 $0x380, v1;
	v0 =	vadd.s32 v0, v2  }
0x24: {  	v0 =	vor.u32 v1, v0  }
0x25: {  	v0 =	vshrl.u32 v0, $0x3;
	_ =	sdelay $0x2  }
0x26: {  	s12 =	sshll.u32 s12, $0xF  }
0x27: {  	s12 =	sor.u32 $0x200, s12  }
0x28: {  	[tilespmem:s12], [sflag:$0x1] =	stream.indirect_vreg.gather [hbm:s2], $0x80, v0, vm0, $0x38;
	[tilespmem:$0x10200] =	vst v63  }
0x29: {  	s15 =	sadd.s32 $0x10, s14;
	s13 =	sadd.s32 $0x400, s12  }
0x2a: {  	[tilespmem:s13], [sflag:$0x1] =	stream.indirect_vreg.gather [hbm:s2], $0x80, v0, vm1, $0x38;
	[tilespmem:$0x10200] =	vst v63  }
0x2b: {  	s16 =	simm.s32 $0x80;
	v0 =	vld.msk [tilespmem:s15+$0x0 ss:$0x1], $0xffff;
	s15 =	smov.u32 s12  }
.LBB2_3:
0x2c: {  	p1 =	sne.s32 s16, $0x3C0;
	_ =	sdelay $0x4  }
0x2d: {  	v1 =	vand.u32 $0x7, v0;
	v2 =	vshll.u32 v0, $0x4  }
0x2e: {  	vm2 =	veq.s32 v0, $0x80000000;
	v0 =	vmul.u32 $0xA0000, v1;
	v1 =	vand.u32 $0xFFF80, v2  }
0x2f: {  	v1 =	vsel vm2, $0xFFFFFF80, v1  }
0x30: {  	v0 =	vsel vm2, $0xFFF60000, v0;
	v2 =	vand.u32 $0xFFFFFC00, v1  }
0x31: {  	v1 =	vand.u32 $0x380, v1;
	v0 =	vadd.s32 v0, v2  }
0x32: {  	v0 =	vor.u32 v1, v0  }
0x33: {  	v0 =	vshrl.u32 v0, $0x3;
	_ =	sdelay $0x3  }
.Ltmp3:
0x34: {  	s17 =	sshra.s32 s16, $0x2;
	s15 =	sadd.s32 $0x800, s15;
	(pc) =	sbr.rel @p1 .LBB2_3-.Ltmp3, $4  }
0x35: {  	[tilespmem:s15], [sflag:$0x1] =	stream.indirect_vreg.gather [hbm:s2], $0x80, v0, vm0, $0x38;
	[tilespmem:$0x10200] =	vst v63  }
0x36: {  	s17 =	sadd.s32 s17, s14;
	s18 =	sadd.s32 $0x400, s15  }
0x37: {  	[tilespmem:s18], [sflag:$0x1] =	stream.indirect_vreg.gather [hbm:s2], $0x80, v0, vm1, $0x38;
	[tilespmem:$0x10200] =	vst v63  }
0x38: {  	s16 =	sadd.s32 $0x40, s16;
	v0 =	vld.msk [tilespmem:s17+$0x0 ss:$0x1], $0xffff  }
0x39: {  	_ =	sdelay $0x3  }
0x3a: {  	v1 =	vand.u32 $0x7, v0;
	v2 =	vshll.u32 v0, $0x4  }
0x3b: {  	vm2 =	veq.s32 v0, $0x80000000;
	v61 =	vmul.u32 $0xA0000, v1;
	v62 =	vand.u32 $0xFFF80, v2  }
0x3c: {  	v1 =	vsel vm2, $0xFFFFFF80, v62  }
0x3d: {  	v0 =	vsel vm2, $0xFFF60000, v61;
	v63 =	vand.u32 $0xFFFFFC00, v1  }
0x3e: {  	v1 =	vand.u32 $0x380, v1;
	v0 =	vadd.s32 v0, v63  }
0x3f: {  	v0 =	vor.u32 v1, v0  }
0x40: {  	v0 =	vshrl.u32 v0, $0x3;
	_ =	sdelay $0x3  }
0x41: {  	s14 =	sadd.s32 $0x800, s15  }
0x42: {  	[tilespmem:s14], [sflag:$0x1] =	stream.indirect_vreg.gather [hbm:s2], $0x80, v0, vm0, $0x38;
	[tilespmem:$0x10200] =	vst v63  }
0x43: {  	s14 =	sadd.s32 $0x400, s14  }
0x44: {  	[tilespmem:s14], [sflag:$0x1] =	stream.indirect_vreg.gather [hbm:s2], $0x80, v0, vm1, $0x38;
	[tilespmem:$0x10200] =	vst v63  }
0x45: {  	s11 =	sshll.u32 s11, $0x4;
	_ =	swait.ge [sflag:s4], $0x8000  }
0x46: {  	s11 =	sadd.s32 s11, s7;
	[sflag:s4] =	ssyncset.done $0x0  }
0x47: {  	s15 =	sadd.s32 $0x0, s11;
	s14 =	simm.s32 $0x80;
	[sflag:s4] =	ssyncadd.s32 $0xFFFF8000  }
.LBB2_5:
0x48: {  	[hbm:s15] =	stream.linear.scatter [tilespmem:s12], [sflag:$0x3], $0x400, $0x38;
	[tilespmem:$0x10200] =	vst v63  }
0x49: {  	s15 =	smov.u32 s14;
	s12 =	smov.u32 s13;
	p1 =	sne.s32 s14, $0xF80  }
.Ltmp4:
0x4a: {  	s14 =	sadd.s32 $0x80, s14;
	(pc) =	sbr.rel @p1 .LBB2_5-.Ltmp4, $2  }
0x4b: {  	_ =	sdelay $0x2  }
0x4c: {  	s13 =	sadd.s32 $0x400, s13;
	s15 =	sadd.s32 s15, s11  }
.Ltmp5:
0x4d: {  	_ = 	snop;
	(pc) =	sbr.rel .LBB2_6-.Ltmp5, $1  }
0x4e: {  	_ =	sdelay $0x3  }
.LBB2_8:
0x4f: {  	_ =	sfence.sel $0x180000  }
0x50: {  	s2 =	simm.s32 $0x2;
	[bflag:$0x0] =	sbarrier.arrive $0xFFFF  }
0x51: {  	s30 =	simm.s32 $0x3;
	[sflag:s2] =	ssyncpa.u1 $0x1  }
0x52: {  	s31 =	simm.s32 $0x1;
	[sflag:s30] =	ssyncpa.u1 $0x1  }
0x53: {  	[sflag:s31] =	ssyncpa.u1 $0x1  }
0x54: {  	p0 =	sne.s32 s1, $0x0;
	_ =	strace $0x90000047  }
0x55: {  	s0 =	sadd.s32 @!p0 $0x100000, s0;
	[bflag:$0x2] =	sbarrier.arrive $0xFFFF  }
0x56: {  	[sflag:s0] =	ssyncadd.tile.s32 @!p0 $0x1;
	_ =	shalt  }
.Lfunc_end2:
_tile_overlayer_lowered:
.L_overlay_start_2:
0x57: {  	(tag) =	ssettag $0x2  }
0x58: {  	s0 =	rddreg [dreg:$0x0];
	s2 =	stileid.u32  }
0x59: {  	s1 =	rddreg [dreg:$0x1];
	p0 =	sne.s32 s2, $0x0  }
0x5a: {  	s3 =	rddreg [dreg:$0x2];
	[bflag:$0x3] =	sbarrier.arrive $0xFFFF;
	s2 =	simm.s32 @!p0 $0x1C01  }
0x5b: {  	[timem:s3], [sflag:s2] =	dma.local @!p0 [hbm:s0], s1  }
0x5c: {  	s0 =	simm.s32 @!p0 $0x1  }
0x5d: {  	_ =	swait.ge @!p0 [sflag:s0], s1  }
0x5e: {  	s1 =	ssub.s32 @!p0 $0x0, s1;
	[sflag:s0] =	ssyncset.done @!p0 $0x0  }
0x5f: {  	[sflag:s0] =	ssyncadd.s32 @!p0 s1  }
0x60: {  	[bflag:$0x3] =	sbarrier.arrive $0xFFFF  }
0x61: {  	_ =	shalt  }

</sc_bundles>
